<compile_context>
chip_gen: v7x
topology: tpu7x:2x2x1
jax: 0.10.2.dev20260603
libtpu: 0.0.44.dev20260713+nightly
codegen_flags: <defaults>
</compile_context>

<pallas_src>
import jax
import jax.numpy as jnp
import numpy as np
from jax import lax
from jax.experimental import pallas as pl
from jax.experimental.pallas import tpu as pltpu
from jax.experimental.pallas import tpu_sc as plsc

_ALPHA = 0.5
_LAM = float(np.random.RandomState(0).beta(_ALPHA, 1.0 - _ALPHA))

_B = 256
_SL = 672
_LN = 224
_CS = 56
_NC = _SL // _CS
_NW = 32
_RPW = _B // _NW
_NT = _RPW * _NC


def _sc_body(x2, y128, idx, out, yb128,
             idxv, a0, p0, o0, a1, p1, o1, iv, ybuf,
             sa0, sp0, so0, sa1, sp1, so1):
    wid = lax.axis_index("s") * 2 + lax.axis_index("c")
    rbase = wid * _RPW
    sbase = rbase * _SL

    pltpu.sync_copy(idx.at[pl.ds(rbase, 16)], idxv)
    vidx = idxv[...]
    svals = [vidx[k] for k in range(_RPW)]

    def _ridx(r):
        acc = svals[0]
        for k in range(1, _RPW):
            acc = jnp.where(r == k, svals[k], acc)
        return acc

    @pl.when(wid == 0)
    def _():
        pltpu.sync_copy(idx.at[pl.ds(0, _B)], iv)
        for h in range(2):
            pltpu.async_copy(y128.at[iv.at[pl.ds(h * 128, 128)]], ybuf, sa0).wait()
            pltpu.sync_copy(ybuf, yb128.at[pl.ds(h * 128, 128)])

    slots = ((a0, p0, o0, sa0, sp0, so0), (a1, p1, o1, sa1, sp1, so1))

    def in_copies(t, slot):
        a, p, _, sa, sp, _ = slot
        r = t // _NC
        c = t % _NC
        ridx = _ridx(r)
        lin = pltpu.make_async_copy(
            x2.at[pl.ds(sbase + r * _SL + c * _CS, _CS)], a, sa)
        gat = pltpu.make_async_copy(
            x2.at[pl.ds(ridx * _SL + c * _CS, _CS)], p, sp)
        return lin, gat

    def st_copy(t, slot):
        _, _, o, _, _, so = slot
        return pltpu.make_async_copy(
            o, out.at[pl.ds(sbase + (t // _NC) * _SL + (t % _NC) * _CS, _CS)], so)

    for s in range(2):
        lin, gat = in_copies(s, slots[s])
        lin.start()
        gat.start()

    @pl.loop(0, _NT, step=2)
    def _tiles(i):
        for s in range(2):
            t = i + s
            a, p, o, _, _, _ = slots[s]
            lin, gat = in_copies(t, slots[s])
            lin.wait()
            gat.wait()

            @pl.when(i >= 2)
            def _():
                st_copy(t - 2, slots[s]).wait()

            @pl.loop(0, _CS)
            def _row(q):
                for j in range(_LN // 16):
                    av = a[q, pl.ds(j * 16, 16)]
                    pv = p[q, pl.ds(j * 16, 16)]
                    o[q, pl.ds(j * 16, 16)] = av * _LAM + pv * (1.0 - _LAM)

            st_copy(t, slots[s]).start()

            @pl.when(i < _NT - 2)
            def _():
                lin2, gat2 = in_copies(t + 2, slots[s])
                lin2.start()
                gat2.start()

    for s in range(2):
        st_copy(_NT - 2 + s, slots[s]).wait()


def kernel(x, y, index):
    x2 = x.reshape(_B * _SL, _LN)
    y128 = jnp.broadcast_to(y[:, None], (_B, 128))
    idxp = jnp.concatenate([index.astype(jnp.int32), jnp.zeros((8,), jnp.int32)])

    mesh = plsc.VectorSubcoreMesh(core_axis_name="c", subcore_axis_name="s")
    mix2, yb128 = pl.kernel(
        _sc_body,
        out_type=(
            jax.ShapeDtypeStruct((_B * _SL, _LN), jnp.float32),
            jax.ShapeDtypeStruct((_B, 128), jnp.int32),
        ),
        mesh=mesh,
        scratch_types=[
            pltpu.VMEM((16,), jnp.int32),
            pltpu.VMEM((_CS, _LN), jnp.float32),
            pltpu.VMEM((_CS, _LN), jnp.float32),
            pltpu.VMEM((_CS, _LN), jnp.float32),
            pltpu.VMEM((_CS, _LN), jnp.float32),
            pltpu.VMEM((_CS, _LN), jnp.float32),
            pltpu.VMEM((_CS, _LN), jnp.float32),
            pltpu.VMEM((_B,), jnp.int32),
            pltpu.VMEM((128, 128), jnp.int32),
            pltpu.SemaphoreType.DMA,
            pltpu.SemaphoreType.DMA,
            pltpu.SemaphoreType.DMA,
            pltpu.SemaphoreType.DMA,
            pltpu.SemaphoreType.DMA,
            pltpu.SemaphoreType.DMA,
        ],
    )(x2, y128, idxp)

    mixed = mix2.reshape(x.shape)
    yb = yb128[:, 0]
    return (mixed, y, yb, jnp.float32(_LAM))

# --- scband reference (transcript-rebuilt; emitter-appended) ---
"""Pipeline reference for scband-mixup-33268816674909 (READ-ONLY COPY).

The authoritative reference and input builder live on the scoring server;
editing this copy changes nothing except your own understanding.
"""

import jax, jax.numpy as jnp
import numpy as np

ALPHA = 0.5

def setup_inputs(seed: int = 0) -> dict:
    key = jax.random.key(seed)
    k1, k2, k3 = jax.random.split(key, 3)
    x = jax.random.normal(k1, (256, 3, 224, 224), dtype=jnp.float32)
    y = jax.random.randint(k2, (256,), 0, 1000, dtype=jnp.int64 if jax.config.jax_enable_x64 else jnp.int32).astype(jnp.int32)
    index = jax.random.randint(k3, (256,), 0, 256).astype(jnp.int32)
    return {"x": x, "y": y, "index": index}

def reference(x, y, index):
    # lam ~ Beta(alpha, 1 - alpha) in the torch module; fixed via seeded numpy for determinism
    lam = jnp.float32(np.random.RandomState(0).beta(ALPHA, 1.0 - ALPHA))
    # mixed_x = lam * x + (1 - lam) * x[index, :]
    x_perm = jnp.take(x, index, axis=0)
    mixed_x = lam * x + (1.0 - lam) * x_perm
    y_a = y
    y_b = jnp.take(y, index, axis=0)
    return (mixed_x, y_a, y_b, lam)

if __name__ == "__main__":
    import jax
    _d = setup_inputs()
    print(jax.jit(kernel)(*tuple(_d.values())))

</pallas_src>

<mosaic_0001>
#map = affine_map<(d0, d1) -> (0, 0)>
#map1 = affine_map<(d0, d1) -> (0)>
module attributes {stable_mosaic.version = 14 : i64} {
  func.func @_sc_body(%arg0: i32, %arg1: i32, %arg2: memref<172032x224xf32, #tpu.memory_space<hbm>>, %arg3: memref<256x128xi32, #tpu.memory_space<hbm>>, %arg4: memref<264xi32, #tpu.memory_space<hbm>>, %arg5: memref<172032x224xf32, #tpu.memory_space<hbm>>, %arg6: memref<256x128xi32, #tpu.memory_space<hbm>>, %arg7: memref<16xi32, #tpu.memory_space<vmem>>, %arg8: memref<56x224xf32, #tpu.memory_space<vmem>>, %arg9: memref<56x224xf32, #tpu.memory_space<vmem>>, %arg10: memref<56x224xf32, #tpu.memory_space<vmem>>, %arg11: memref<56x224xf32, #tpu.memory_space<vmem>>, %arg12: memref<56x224xf32, #tpu.memory_space<vmem>>, %arg13: memref<56x224xf32, #tpu.memory_space<vmem>>, %arg14: memref<256xi32, #tpu.memory_space<vmem>>, %arg15: memref<128x128xi32, #tpu.memory_space<vmem>>, %arg16: memref<!tpu.dma_semaphore, #tpu.memory_space<semaphore_mem>>, %arg17: memref<!tpu.dma_semaphore, #tpu.memory_space<semaphore_mem>>, %arg18: memref<!tpu.dma_semaphore, #tpu.memory_space<semaphore_mem>>, %arg19: memref<!tpu.dma_semaphore, #tpu.memory_space<semaphore_mem>>, %arg20: memref<!tpu.dma_semaphore, #tpu.memory_space<semaphore_mem>>, %arg21: memref<!tpu.dma_semaphore, #tpu.memory_space<semaphore_mem>>) attributes {dimension_semantics = [#tpu.dimension_semantics<core_parallel>, #tpu.dimension_semantics<subcore_parallel>], iteration_bounds = array<i64: 2, 16>, scalar_prefetch = 0 : i64, scratch_operands = 15 : i64, tpu.core_type = #tpu.core_type<sc_vector_subcore>, window_params = [{transform_indices = #map}, {transform_indices = #map}, {transform_indices = #map1}, {transform_indices = #map}, {transform_indices = #map}]} {
    %mul3A = arith.constant 2 : i32
    %mul3A_0 = arith.muli %arg1, %mul3A : i32
    %add3A = arith.addi %mul3A_0, %arg0 : i32
    %mul3A_1 = arith.constant 8 : i32
    %mul3A_2 = arith.muli %add3A, %mul3A_1 : i32
    %mul3A_3 = arith.constant 672 : i32
    %mul3A_4 = arith.muli %mul3A_2, %mul3A_3 : i32
    "tpu.region"() ({
      %run_scoped3A = tpu.sem_alloc : memref<!tpu.dma_semaphore, #tpu.memory_space<semaphore_mem>>
      %dma_start3A_99 = tpu.memref_slice %arg4[%mul3A_2] : memref<264xi32, #tpu.memory_space<hbm>> -> memref<16xi32, #tpu.memory_space<hbm>>
      %dma_start3A_100 = tpu.memref_slice %arg4[%mul3A_2] : memref<264xi32, #tpu.memory_space<hbm>> -> memref<16xi32, #tpu.memory_space<hbm>>
      tpu.enqueue_dma source(%dma_start3A_100 : memref<16xi32, #tpu.memory_space<hbm>>) target(%arg7 : memref<16xi32, #tpu.memory_space<vmem>>) target_semaphore(%run_scoped3A : memref<!tpu.dma_semaphore, #tpu.memory_space<semaphore_mem>>)
      %dma_wait3A_101 = tpu.memref_slice %arg4[%mul3A_2] : memref<264xi32, #tpu.memory_space<hbm>> -> memref<16xi32, #tpu.memory_space<hbm>>
      %dma_wait3A_102 = tpu.memref_slice %arg4[%mul3A_2] : memref<264xi32, #tpu.memory_space<hbm>> -> memref<16xi32, #tpu.memory_space<hbm>>
      tpu.wait_dma2 semaphore(%run_scoped3A : memref<!tpu.dma_semaphore, #tpu.memory_space<semaphore_mem>>) src(%dma_wait3A_102 : memref<16xi32, #tpu.memory_space<hbm>>) dst(%arg7 : memref<16xi32, #tpu.memory_space<vmem>>)
      tpu.yield
    }) : () -> ()
    %get3A = arith.constant 0 : index
    %get3A_5 = tpu.vector_load %arg7[%get3A] {strides = array<i32>} : memref<16xi32, #tpu.memory_space<vmem>>, vector<16xi32>,
    %get3A_6 = vector.shape_cast %get3A_5 : vector<16xi32> to vector<16xi32>
    %slice3A = vector.extract_strided_slice %get3A_6 {offsets = [0], sizes = [1], strides = [1]} : vector<16xi32> to vector<1xi32>
    %squeeze3A = vector.extract %slice3A[0] : i32 from vector<1xi32>
    %slice3A_7 = vector.extract_strided_slice %get3A_6 {offsets = [1], sizes = [1], strides = [1]} : vector<16xi32> to vector<1xi32>
    %squeeze3A_8 = vector.extract %slice3A_7[0] : i32 from vector<1xi32>
    %slice3A_9 = vector.extract_strided_slice %get3A_6 {offsets = [2], sizes = [1], strides = [1]} : vector<16xi32> to vector<1xi32>
    %squeeze3A_10 = vector.extract %slice3A_9[0] : i32 from vector<1xi32>
    %slice3A_11 = vector.extract_strided_slice %get3A_6 {offsets = [3], sizes = [1], strides = [1]} : vector<16xi32> to vector<1xi32>
    %squeeze3A_12 = vector.extract %slice3A_11[0] : i32 from vector<1xi32>
    %slice3A_13 = vector.extract_strided_slice %get3A_6 {offsets = [4], sizes = [1], strides = [1]} : vector<16xi32> to vector<1xi32>
    %squeeze3A_14 = vector.extract %slice3A_13[0] : i32 from vector<1xi32>
    %slice3A_15 = vector.extract_strided_slice %get3A_6 {offsets = [5], sizes = [1], strides = [1]} : vector<16xi32> to vector<1xi32>
    %squeeze3A_16 = vector.extract %slice3A_15[0] : i32 from vector<1xi32>
    %slice3A_17 = vector.extract_strided_slice %get3A_6 {offsets = [6], sizes = [1], strides = [1]} : vector<16xi32> to vector<1xi32>
    %squeeze3A_18 = vector.extract %slice3A_17[0] : i32 from vector<1xi32>
    %slice3A_19 = vector.extract_strided_slice %get3A_6 {offsets = [7], sizes = [1], strides = [1]} : vector<16xi32> to vector<1xi32>
    %squeeze3A_20 = vector.extract %slice3A_19[0] : i32 from vector<1xi32>
    %eq3A = arith.constant 0 : i32
    %eq3A_21 = arith.cmpi eq, %add3A, %eq3A : i32
    %convert_element_type3A = arith.extui %eq3A_21 : i1 to i32
    %cond3A = arith.constant 0 : i32
    %cond3A_22 = arith.cmpi ne, %convert_element_type3A, %cond3A : i32
    scf.if %cond3A_22 {
      "tpu.region"() ({
        %run_scoped3A = tpu.sem_alloc : memref<!tpu.dma_semaphore, #tpu.memory_space<semaphore_mem>>
        %dma_start3A_119 = arith.constant 0 : i32
        %dma_start3A_120 = tpu.memref_slice %arg4[%dma_start3A_119] : memref<264xi32, #tpu.memory_space<hbm>> -> memref<256xi32, #tpu.memory_space<hbm>>
        %dma_start3A_121 = arith.constant 0 : i32
        %dma_start3A_122 = tpu.memref_slice %arg4[%dma_start3A_121] : memref<264xi32, #tpu.memory_space<hbm>> -> memref<256xi32, #tpu.memory_space<hbm>>
        tpu.enqueue_dma source(%dma_start3A_122 : memref<256xi32, #tpu.memory_space<hbm>>) target(%arg14 : memref<256xi32, #tpu.memory_space<vmem>>) target_semaphore(%run_scoped3A : memref<!tpu.dma_semaphore, #tpu.memory_space<semaphore_mem>>)
        %dma_wait3A_123 = arith.constant 0 : i32
        %dma_wait3A_124 = tpu.memref_slice %arg4[%dma_wait3A_123] : memref<264xi32, #tpu.memory_space<hbm>> -> memref<256xi32, #tpu.memory_space<hbm>>
        %dma_wait3A_125 = arith.constant 0 : i32
        %dma_wait3A_126 = tpu.memref_slice %arg4[%dma_wait3A_125] : memref<264xi32, #tpu.memory_space<hbm>> -> memref<256xi32, #tpu.memory_space<hbm>>
        tpu.wait_dma2 semaphore(%run_scoped3A : memref<!tpu.dma_semaphore, #tpu.memory_space<semaphore_mem>>) src(%dma_wait3A_126 : memref<256xi32, #tpu.memory_space<hbm>>) dst(%arg14 : memref<256xi32, #tpu.memory_space<vmem>>)
        tpu.yield
      }) : () -> ()
      %dma_start3A_99 = arith.constant 0 : i32
      %dma_start3A_100 = tpu.memref_slice %arg14[%dma_start3A_99] : memref<256xi32, #tpu.memory_space<vmem>> -> memref<128xi32, #tpu.memory_space<vmem>>
      %dma_start3A_101 = arith.constant 0 : i32
      %dma_start3A_102 = arith.constant 0 : i32
      %dma_start3A_103 = tpu.memref_slice %arg3[%dma_start3A_101, %dma_start3A_102] : memref<256x128xi32, #tpu.memory_space<hbm>> -> memref<256x128xi32, #tpu.memory_space<hbm>>
      tpu.enqueue_indirect_dma source(%dma_start3A_103 : memref<256x128xi32, #tpu.memory_space<hbm>>) target(%arg15 : memref<128x128xi32, #tpu.memory_space<vmem>>) offsets(%dma_start3A_100 : memref<128xi32, #tpu.memory_space<vmem>>) semaphore(%arg16 : memref<!tpu.dma_semaphore, #tpu.memory_space<semaphore_mem>>)
      %dma_wait3A_104 = arith.constant 0 : i32
      %dma_wait3A_105 = tpu.memref_slice %arg14[%dma_wait3A_104] : memref<256xi32, #tpu.memory_space<vmem>> -> memref<128xi32, #tpu.memory_space<vmem>>
      %dma_wait3A_106 = arith.constant 0 : i32
      %dma_wait3A_107 = arith.constant 0 : i32
      %dma_wait3A_108 = tpu.memref_slice %arg3[%dma_wait3A_106, %dma_wait3A_107] : memref<256x128xi32, #tpu.memory_space<hbm>> -> memref<256x128xi32, #tpu.memory_space<hbm>>
      tpu.wait_indirect_dma semaphore(%arg16 : memref<!tpu.dma_semaphore, #tpu.memory_space<semaphore_mem>>) src(%dma_wait3A_108 : memref<256x128xi32, #tpu.memory_space<hbm>>) dst(%arg15 : memref<128x128xi32, #tpu.memory_space<vmem>>)
      "tpu.region"() ({
        %run_scoped3A = tpu.sem_alloc : memref<!tpu.dma_semaphore, #tpu.memory_space<semaphore_mem>>
        %dma_start3A_119 = arith.constant 0 : i32
        %dma_start3A_120 = arith.constant 0 : i32
        %dma_start3A_121 = tpu.memref_slice %arg6[%dma_start3A_119, %dma_start3A_120] : memref<256x128xi32, #tpu.memory_space<hbm>> -> memref<128x128xi32, #tpu.memory_space<hbm>>
        %dma_start3A_122 = arith.constant 0 : i32
        %dma_start3A_123 = arith.constant 0 : i32
        %dma_start3A_124 = tpu.memref_slice %arg6[%dma_start3A_122, %dma_start3A_123] : memref<256x128xi32, #tpu.memory_space<hbm>> -> memref<128x128xi32, #tpu.memory_space<hbm>>
        tpu.enqueue_dma source(%arg15 : memref<128x128xi32, #tpu.memory_space<vmem>>) target(%dma_start3A_124 : memref<128x128xi32, #tpu.memory_space<hbm>>) target_semaphore(%run_scoped3A : memref<!tpu.dma_semaphore, #tpu.memory_space<semaphore_mem>>)
        %dma_wait3A_125 = arith.constant 0 : i32
        %dma_wait3A_126 = arith.constant 0 : i32
        %dma_wait3A_127 = tpu.memref_slice %arg6[%dma_wait3A_125, %dma_wait3A_126] : memref<256x128xi32, #tpu.memory_space<hbm>> -> memref<128x128xi32, #tpu.memory_space<hbm>>
        %dma_wait3A_128 = arith.constant 0 : i32
        %dma_wait3A_129 = arith.constant 0 : i32
        %dma_wait3A_130 = tpu.memref_slice %arg6[%dma_wait3A_128, %dma_wait3A_129] : memref<256x128xi32, #tpu.memory_space<hbm>> -> memref<128x128xi32, #tpu.memory_space<hbm>>
        tpu.wait_dma2 semaphore(%run_scoped3A : memref<!tpu.dma_semaphore, #tpu.memory_space<semaphore_mem>>) src(%arg15 : memref<128x128xi32, #tpu.memory_space<vmem>>) dst(%dma_wait3A_130 : memref<128x128xi32, #tpu.memory_space<hbm>>)
        tpu.yield
      }) : () -> ()
      %dma_start3A_109 = arith.constant 128 : i32
      %dma_start3A_110 = tpu.memref_slice %arg14[%dma_start3A_109] : memref<256xi32, #tpu.memory_space<vmem>> -> memref<128xi32, #tpu.memory_space<vmem>>
      %dma_start3A_111 = arith.constant 0 : i32
      %dma_start3A_112 = arith.constant 0 : i32
      %dma_start3A_113 = tpu.memref_slice %arg3[%dma_start3A_111, %dma_start3A_112] : memref<256x128xi32, #tpu.memory_space<hbm>> -> memref<256x128xi32, #tpu.memory_space<hbm>>
      tpu.enqueue_indirect_dma source(%dma_start3A_113 : memref<256x128xi32, #tpu.memory_space<hbm>>) target(%arg15 : memref<128x128xi32, #tpu.memory_space<vmem>>) offsets(%dma_start3A_110 : memref<128xi32, #tpu.memory_space<vmem>>) semaphore(%arg16 : memref<!tpu.dma_semaphore, #tpu.memory_space<semaphore_mem>>)
      %dma_wait3A_114 = arith.constant 128 : i32
      %dma_wait3A_115 = tpu.memref_slice %arg14[%dma_wait3A_114] : memref<256xi32, #tpu.memory_space<vmem>> -> memref<128xi32, #tpu.memory_space<vmem>>
      %dma_wait3A_116 = arith.constant 0 : i32
      %dma_wait3A_117 = arith.constant 0 : i32
      %dma_wait3A_118 = tpu.memref_slice %arg3[%dma_wait3A_116, %dma_wait3A_117] : memref<256x128xi32, #tpu.memory_space<hbm>> -> memref<256x128xi32, #tpu.memory_space<hbm>>
      tpu.wait_indirect_dma semaphore(%arg16 : memref<!tpu.dma_semaphore, #tpu.memory_space<semaphore_mem>>) src(%dma_wait3A_118 : memref<256x128xi32, #tpu.memory_space<hbm>>) dst(%arg15 : memref<128x128xi32, #tpu.memory_space<vmem>>)
      "tpu.region"() ({
        %run_scoped3A = tpu.sem_alloc : memref<!tpu.dma_semaphore, #tpu.memory_space<semaphore_mem>>
        %dma_start3A_119 = arith.constant 128 : i32
        %dma_start3A_120 = arith.constant 0 : i32
        %dma_start3A_121 = tpu.memref_slice %arg6[%dma_start3A_119, %dma_start3A_120] : memref<256x128xi32, #tpu.memory_space<hbm>> -> memref<128x128xi32, #tpu.memory_space<hbm>>
        %dma_start3A_122 = arith.constant 128 : i32
        %dma_start3A_123 = arith.constant 0 : i32
        %dma_start3A_124 = tpu.memref_slice %arg6[%dma_start3A_122, %dma_start3A_123] : memref<256x128xi32, #tpu.memory_space<hbm>> -> memref<128x128xi32, #tpu.memory_space<hbm>>
        tpu.enqueue_dma source(%arg15 : memref<128x128xi32, #tpu.memory_space<vmem>>) target(%dma_start3A_124 : memref<128x128xi32, #tpu.memory_space<hbm>>) target_semaphore(%run_scoped3A : memref<!tpu.dma_semaphore, #tpu.memory_space<semaphore_mem>>)
        %dma_wait3A_125 = arith.constant 128 : i32
        %dma_wait3A_126 = arith.constant 0 : i32
        %dma_wait3A_127 = tpu.memref_slice %arg6[%dma_wait3A_125, %dma_wait3A_126] : memref<256x128xi32, #tpu.memory_space<hbm>> -> memref<128x128xi32, #tpu.memory_space<hbm>>
        %dma_wait3A_128 = arith.constant 128 : i32
        %dma_wait3A_129 = arith.constant 0 : i32
        %dma_wait3A_130 = tpu.memref_slice %arg6[%dma_wait3A_128, %dma_wait3A_129] : memref<256x128xi32, #tpu.memory_space<hbm>> -> memref<128x128xi32, #tpu.memory_space<hbm>>
        tpu.wait_dma2 semaphore(%run_scoped3A : memref<!tpu.dma_semaphore, #tpu.memory_space<semaphore_mem>>) src(%arg15 : memref<128x128xi32, #tpu.memory_space<vmem>>) dst(%dma_wait3A_130 : memref<128x128xi32, #tpu.memory_space<hbm>>)
        tpu.yield
      }) : () -> ()
    } else {
    }
    %jit3A = arith.constant false
    %select_n3A = arith.select %jit3A, %squeeze3A_8, %squeeze3A : i32
    %jit3A_23 = arith.constant false
    %select_n3A_24 = arith.select %jit3A_23, %squeeze3A_10, %select_n3A : i32
    %jit3A_25 = arith.constant false
    %select_n3A_26 = arith.select %jit3A_25, %squeeze3A_12, %select_n3A_24 : i32
    %jit3A_27 = arith.constant false
    %select_n3A_28 = arith.select %jit3A_27, %squeeze3A_14, %select_n3A_26 : i32
    %jit3A_29 = arith.constant false
    %select_n3A_30 = arith.select %jit3A_29, %squeeze3A_16, %select_n3A_28 : i32
    %jit3A_31 = arith.constant false
    %select_n3A_32 = arith.select %jit3A_31, %squeeze3A_18, %select_n3A_30 : i32
    %jit3A_33 = arith.constant false
    %select_n3A_34 = arith.select %jit3A_33, %squeeze3A_20, %select_n3A_32 : i32
    %add3A_35 = arith.constant 0 : i32
    %add3A_36 = arith.addi %mul3A_4, %add3A_35 : i32
    %add3A_37 = arith.constant 0 : i32
    %add3A_38 = arith.addi %add3A_36, %add3A_37 : i32
    %mul3A_39 = arith.constant 672 : i32
    %mul3A_40 = arith.muli %select_n3A_34, %mul3A_39 : i32
    %add3A_41 = arith.constant 0 : i32
    %add3A_42 = arith.addi %mul3A_40, %add3A_41 : i32
    %dma_start3A = arith.constant 0 : i32
    %dma_start3A_43 = tpu.memref_slice %arg2[%add3A_38, %dma_start3A] : memref<172032x224xf32, #tpu.memory_space<hbm>> -> memref<56x224xf32, #tpu.memory_space<hbm>>
    %dma_start3A_44 = arith.constant 0 : i32
    %dma_start3A_45 = tpu.memref_slice %arg2[%add3A_38, %dma_start3A_44] : memref<172032x224xf32, #tpu.memory_space<hbm>> -> memref<56x224xf32, #tpu.memory_space<hbm>>
    tpu.enqueue_dma source(%dma_start3A_45 : memref<56x224xf32, #tpu.memory_space<hbm>>) target(%arg8 : memref<56x224xf32, #tpu.memory_space<vmem>>) target_semaphore(%arg16 : memref<!tpu.dma_semaphore, #tpu.memory_space<semaphore_mem>>)
    %dma_start3A_46 = arith.constant 0 : i32
    %dma_start3A_47 = tpu.memref_slice %arg2[%add3A_42, %dma_start3A_46] : memref<172032x224xf32, #tpu.memory_space<hbm>> -> memref<56x224xf32, #tpu.memory_space<hbm>>
    %dma_start3A_48 = arith.constant 0 : i32
    %dma_start3A_49 = tpu.memref_slice %arg2[%add3A_42, %dma_start3A_48] : memref<172032x224xf32, #tpu.memory_space<hbm>> -> memref<56x224xf32, #tpu.memory_space<hbm>>
    tpu.enqueue_dma source(%dma_start3A_49 : memref<56x224xf32, #tpu.memory_space<hbm>>) target(%arg9 : memref<56x224xf32, #tpu.memory_space<vmem>>) target_semaphore(%arg17 : memref<!tpu.dma_semaphore, #tpu.memory_space<semaphore_mem>>)
    %jit3A_50 = arith.constant false
    %select_n3A_51 = arith.select %jit3A_50, %squeeze3A_8, %squeeze3A : i32
    %jit3A_52 = arith.constant false
    %select_n3A_53 = arith.select %jit3A_52, %squeeze3A_10, %select_n3A_51 : i32
    %jit3A_54 = arith.constant false
    %select_n3A_55 = arith.select %jit3A_54, %squeeze3A_12, %select_n3A_53 : i32
    %jit3A_56 = arith.constant false
    %select_n3A_57 = arith.select %jit3A_56, %squeeze3A_14, %select_n3A_55 : i32
    %jit3A_58 = arith.constant false
    %select_n3A_59 = arith.select %jit3A_58, %squeeze3A_16, %select_n3A_57 : i32
    %jit3A_60 = arith.constant false
    %select_n3A_61 = arith.select %jit3A_60, %squeeze3A_18, %select_n3A_59 : i32
    %jit3A_62 = arith.constant false
    %select_n3A_63 = arith.select %jit3A_62, %squeeze3A_20, %select_n3A_61 : i32
    %add3A_64 = arith.constant 0 : i32
    %add3A_65 = arith.addi %mul3A_4, %add3A_64 : i32
    %add3A_66 = arith.constant 56 : i32
    %add3A_67 = arith.addi %add3A_65, %add3A_66 : i32
    %mul3A_68 = arith.constant 672 : i32
    %mul3A_69 = arith.muli %select_n3A_63, %mul3A_68 : i32
    %add3A_70 = arith.constant 56 : i32
    %add3A_71 = arith.addi %mul3A_69, %add3A_70 : i32
    %dma_start3A_72 = arith.constant 0 : i32
    %dma_start3A_73 = tpu.memref_slice %arg2[%add3A_67, %dma_start3A_72] : memref<172032x224xf32, #tpu.memory_space<hbm>> -> memref<56x224xf32, #tpu.memory_space<hbm>>
    %dma_start3A_74 = arith.constant 0 : i32
    %dma_start3A_75 = tpu.memref_slice %arg2[%add3A_67, %dma_start3A_74] : memref<172032x224xf32, #tpu.memory_space<hbm>> -> memref<56x224xf32, #tpu.memory_space<hbm>>
    tpu.enqueue_dma source(%dma_start3A_75 : memref<56x224xf32, #tpu.memory_space<hbm>>) target(%arg11 : memref<56x224xf32, #tpu.memory_space<vmem>>) target_semaphore(%arg19 : memref<!tpu.dma_semaphore, #tpu.memory_space<semaphore_mem>>)
    %dma_start3A_76 = arith.constant 0 : i32
    %dma_start3A_77 = tpu.memref_slice %arg2[%add3A_71, %dma_start3A_76] : memref<172032x224xf32, #tpu.memory_space<hbm>> -> memref<56x224xf32, #tpu.memory_space<hbm>>
    %dma_start3A_78 = arith.constant 0 : i32
    %dma_start3A_79 = tpu.memref_slice %arg2[%add3A_71, %dma_start3A_78] : memref<172032x224xf32, #tpu.memory_space<hbm>> -> memref<56x224xf32, #tpu.memory_space<hbm>>
    tpu.enqueue_dma source(%dma_start3A_79 : memref<56x224xf32, #tpu.memory_space<hbm>>) target(%arg12 : memref<56x224xf32, #tpu.memory_space<vmem>>) target_semaphore(%arg20 : memref<!tpu.dma_semaphore, #tpu.memory_space<semaphore_mem>>)
    %scan3A = arith.constant 0 : i32
    %scan3A_80 = arith.constant 48 : i32
    %scan3A_81 = arith.addi %scan3A, %scan3A_80 : i32
    %scan3A_82 = arith.constant 1 : i32
    scf.for %scan3A_99 = %scan3A to %scan3A_81 step %scan3A_82  : i32 {
      %mul3A_100 = arith.constant 2 : i32
      %mul3A_101 = arith.muli %scan3A_99, %mul3A_100 : i32
      %add3A_102 = arith.constant 0 : i32
      %add3A_103 = arith.addi %add3A_102, %mul3A_101 : i32
      %add3A_104 = arith.constant 0 : i32
      %add3A_105 = arith.addi %add3A_103, %add3A_104 : i32
      %jit3A_106 = arith.constant 12 : i32
      %div3A = arith.divsi %add3A_105, %jit3A_106 : i32
      %sign3A = arith.constant 0 : i32
      %sign3A_107 = arith.cmpi sgt, %add3A_105, %sign3A : i32
      %sign3A_108 = arith.extui %sign3A_107 : i1 to i32
      %sign3A_109 = arith.constant 0 : i32
      %sign3A_110 = arith.cmpi slt, %add3A_105, %sign3A_109 : i32
      %sign3A_111 = arith.extui %sign3A_110 : i1 to i32
      %sign3A_112 = arith.subi %sign3A_108, %sign3A_111 : i32
      %sign3A_113 = arith.constant 0 : i32
      %sign3A_114 = arith.cmpi sgt, %jit3A_106, %sign3A_113 : i32
      %sign3A_115 = arith.extui %sign3A_114 : i1 to i32
      %sign3A_116 = arith.constant 0 : i32
      %sign3A_117 = arith.cmpi slt, %jit3A_106, %sign3A_116 : i32
      %sign3A_118 = arith.extui %sign3A_117 : i1 to i32
      %sign3A_119 = arith.subi %sign3A_115, %sign3A_118 : i32
      %ne3A = arith.cmpi ne, %sign3A_112, %sign3A_119 : i32
      %rem3A = arith.remsi %add3A_105, %jit3A_106 : i32
      %ne3A_120 = arith.constant 0 : i32
      %ne3A_121 = arith.cmpi ne, %rem3A, %ne3A_120 : i32
      %and3A = arith.andi %ne3A, %ne3A_121 : i1
      %sub3A = arith.constant 1 : i32
      %sub3A_122 = arith.subi %div3A, %sub3A : i32
      %select_n3A_123 = arith.select %and3A, %sub3A_122, %div3A : i32
      %jit3A_124 = arith.constant 12 : i32
      %eq3A_125 = arith.constant 0 : i32
      %eq3A_126 = arith.cmpi eq, %jit3A_124, %eq3A_125 : i32
      %jit3A_127 = arith.constant 1 : i32
      %select_n3A_128 = arith.select %eq3A_126, %jit3A_127, %jit3A_124 : i32
      %rem3A_129 = arith.remsi %add3A_105, %select_n3A_128 : i32
      %ne3A_130 = arith.constant 0 : i32
      %ne3A_131 = arith.cmpi ne, %rem3A_129, %ne3A_130 : i32
      %lt3A = arith.constant 0 : i32
      %lt3A_132 = arith.cmpi slt, %rem3A_129, %lt3A : i32
      %lt3A_133 = arith.constant 0 : i32
      %lt3A_134 = arith.cmpi slt, %select_n3A_128, %lt3A_133 : i32
      %ne3A_135 = arith.xori %lt3A_132, %lt3A_134 : i1
      %and3A_136 = arith.andi %ne3A_135, %ne3A_131 : i1
      %add3A_137 = arith.addi %rem3A_129, %select_n3A_128 : i32
      %select_n3A_138 = arith.select %and3A_136, %add3A_137, %rem3A_129 : i32
      %eq3A_139 = arith.constant 1 : i32
      %eq3A_140 = arith.cmpi eq, %select_n3A_123, %eq3A_139 : i32
      %select_n3A_141 = arith.select %eq3A_140, %squeeze3A_8, %squeeze3A : i32
      %eq3A_142 = arith.constant 2 : i32
      %eq3A_143 = arith.cmpi eq, %select_n3A_123, %eq3A_142 : i32
      %select_n3A_144 = arith.select %eq3A_143, %squeeze3A_10, %select_n3A_141 : i32
      %eq3A_145 = arith.constant 3 : i32
      %eq3A_146 = arith.cmpi eq, %select_n3A_123, %eq3A_145 : i32
      %select_n3A_147 = arith.select %eq3A_146, %squeeze3A_12, %select_n3A_144 : i32
      %eq3A_148 = arith.constant 4 : i32
      %eq3A_149 = arith.cmpi eq, %select_n3A_123, %eq3A_148 : i32
      %select_n3A_150 = arith.select %eq3A_149, %squeeze3A_14, %select_n3A_147 : i32
      %eq3A_151 = arith.constant 5 : i32
      %eq3A_152 = arith.cmpi eq, %select_n3A_123, %eq3A_151 : i32
      %select_n3A_153 = arith.select %eq3A_152, %squeeze3A_16, %select_n3A_150 : i32
      %eq3A_154 = arith.constant 6 : i32
      %eq3A_155 = arith.cmpi eq, %select_n3A_123, %eq3A_154 : i32
      %select_n3A_156 = arith.select %eq3A_155, %squeeze3A_18, %select_n3A_153 : i32
      %eq3A_157 = arith.constant 7 : i32
      %eq3A_158 = arith.cmpi eq, %select_n3A_123, %eq3A_157 : i32
      %select_n3A_159 = arith.select %eq3A_158, %squeeze3A_20, %select_n3A_156 : i32
      %mul3A_160 = arith.constant 672 : i32
      %mul3A_161 = arith.muli %select_n3A_123, %mul3A_160 : i32
      %add3A_162 = arith.addi %mul3A_4, %mul3A_161 : i32
      %mul3A_163 = arith.constant 56 : i32
      %mul3A_164 = arith.muli %select_n3A_138, %mul3A_163 : i32
      %add3A_165 = arith.addi %add3A_162, %mul3A_164 : i32
      %mul3A_166 = arith.constant 672 : i32
      %mul3A_167 = arith.muli %select_n3A_159, %mul3A_166 : i32
      %mul3A_168 = arith.constant 56 : i32
      %mul3A_169 = arith.muli %select_n3A_138, %mul3A_168 : i32
      %add3A_170 = arith.addi %mul3A_167, %mul3A_169 : i32
      %dma_wait3A_171 = arith.constant 0 : i32
      %dma_wait3A_172 = tpu.memref_slice %arg2[%add3A_165, %dma_wait3A_171] : memref<172032x224xf32, #tpu.memory_space<hbm>> -> memref<56x224xf32, #tpu.memory_space<hbm>>
      %dma_wait3A_173 = arith.constant 0 : i32
      %dma_wait3A_174 = tpu.memref_slice %arg2[%add3A_165, %dma_wait3A_173] : memref<172032x224xf32, #tpu.memory_space<hbm>> -> memref<56x224xf32, #tpu.memory_space<hbm>>
      tpu.wait_dma2 semaphore(%arg16 : memref<!tpu.dma_semaphore, #tpu.memory_space<semaphore_mem>>) src(%dma_wait3A_174 : memref<56x224xf32, #tpu.memory_space<hbm>>) dst(%arg8 : memref<56x224xf32, #tpu.memory_space<vmem>>)
      %dma_wait3A_175 = arith.constant 0 : i32
      %dma_wait3A_176 = tpu.memref_slice %arg2[%add3A_170, %dma_wait3A_175] : memref<172032x224xf32, #tpu.memory_space<hbm>> -> memref<56x224xf32, #tpu.memory_space<hbm>>
      %dma_wait3A_177 = arith.constant 0 : i32
      %dma_wait3A_178 = tpu.memref_slice %arg2[%add3A_170, %dma_wait3A_177] : memref<172032x224xf32, #tpu.memory_space<hbm>> -> memref<56x224xf32, #tpu.memory_space<hbm>>
      tpu.wait_dma2 semaphore(%arg17 : memref<!tpu.dma_semaphore, #tpu.memory_space<semaphore_mem>>) src(%dma_wait3A_178 : memref<56x224xf32, #tpu.memory_space<hbm>>) dst(%arg9 : memref<56x224xf32, #tpu.memory_space<vmem>>)
      %ge3A = arith.constant 2 : i32
      %ge3A_179 = arith.cmpi sge, %add3A_103, %ge3A : i32
      %convert_element_type3A_180 = arith.extui %ge3A_179 : i1 to i32
      %cond3A_181 = arith.constant 0 : i32
      %cond3A_182 = arith.cmpi ne, %convert_element_type3A_180, %cond3A_181 : i32
      scf.if %cond3A_182 {
        %sub3A_390 = arith.constant 2 : i32
        %sub3A_391 = arith.subi %add3A_105, %sub3A_390 : i32
        %jit3A_392 = arith.constant 12 : i32
        %div3A_393 = arith.divsi %sub3A_391, %jit3A_392 : i32
        %sign3A_394 = arith.constant 0 : i32
        %sign3A_395 = arith.cmpi sgt, %sub3A_391, %sign3A_394 : i32
        %sign3A_396 = arith.extui %sign3A_395 : i1 to i32
        %sign3A_397 = arith.constant 0 : i32
        %sign3A_398 = arith.cmpi slt, %sub3A_391, %sign3A_397 : i32
        %sign3A_399 = arith.extui %sign3A_398 : i1 to i32
        %sign3A_400 = arith.subi %sign3A_396, %sign3A_399 : i32
        %sign3A_401 = arith.constant 0 : i32
        %sign3A_402 = arith.cmpi sgt, %jit3A_392, %sign3A_401 : i32
        %sign3A_403 = arith.extui %sign3A_402 : i1 to i32
        %sign3A_404 = arith.constant 0 : i32
        %sign3A_405 = arith.cmpi slt, %jit3A_392, %sign3A_404 : i32
        %sign3A_406 = arith.extui %sign3A_405 : i1 to i32
        %sign3A_407 = arith.subi %sign3A_403, %sign3A_406 : i32
        %ne3A_408 = arith.cmpi ne, %sign3A_400, %sign3A_407 : i32
        %rem3A_409 = arith.remsi %sub3A_391, %jit3A_392 : i32
        %ne3A_410 = arith.constant 0 : i32
        %ne3A_411 = arith.cmpi ne, %rem3A_409, %ne3A_410 : i32
        %and3A_412 = arith.andi %ne3A_408, %ne3A_411 : i1
        %sub3A_413 = arith.constant 1 : i32
        %sub3A_414 = arith.subi %div3A_393, %sub3A_413 : i32
        %select_n3A_415 = arith.select %and3A_412, %sub3A_414, %div3A_393 : i32
        %mul3A_416 = arith.constant 672 : i32
        %mul3A_417 = arith.muli %select_n3A_415, %mul3A_416 : i32
        %add3A_418 = arith.addi %mul3A_4, %mul3A_417 : i32
        %jit3A_419 = arith.constant 12 : i32
        %eq3A_420 = arith.constant 0 : i32
        %eq3A_421 = arith.cmpi eq, %jit3A_419, %eq3A_420 : i32
        %jit3A_422 = arith.constant 1 : i32
        %select_n3A_423 = arith.select %eq3A_421, %jit3A_422, %jit3A_419 : i32
        %rem3A_424 = arith.remsi %sub3A_391, %select_n3A_423 : i32
        %ne3A_425 = arith.constant 0 : i32
        %ne3A_426 = arith.cmpi ne, %rem3A_424, %ne3A_425 : i32
        %lt3A_427 = arith.constant 0 : i32
        %lt3A_428 = arith.cmpi slt, %rem3A_424, %lt3A_427 : i32
        %lt3A_429 = arith.constant 0 : i32
        %lt3A_430 = arith.cmpi slt, %select_n3A_423, %lt3A_429 : i32
        %ne3A_431 = arith.xori %lt3A_428, %lt3A_430 : i1
        %and3A_432 = arith.andi %ne3A_431, %ne3A_426 : i1
        %add3A_433 = arith.addi %rem3A_424, %select_n3A_423 : i32
        %select_n3A_434 = arith.select %and3A_432, %add3A_433, %rem3A_424 : i32
        %mul3A_435 = arith.constant 56 : i32
        %mul3A_436 = arith.muli %select_n3A_434, %mul3A_435 : i32
        %add3A_437 = arith.addi %add3A_418, %mul3A_436 : i32
        %dma_wait3A_438 = arith.constant 0 : i32
        %dma_wait3A_439 = tpu.memref_slice %arg5[%add3A_437, %dma_wait3A_438] : memref<172032x224xf32, #tpu.memory_space<hbm>> -> memref<56x224xf32, #tpu.memory_space<hbm>>
        %dma_wait3A_440 = arith.constant 0 : i32
        %dma_wait3A_441 = tpu.memref_slice %arg5[%add3A_437, %dma_wait3A_440] : memref<172032x224xf32, #tpu.memory_space<hbm>> -> memref<56x224xf32, #tpu.memory_space<hbm>>
        tpu.wait_dma2 semaphore(%arg18 : memref<!tpu.dma_semaphore, #tpu.memory_space<semaphore_mem>>) src(%arg10 : memref<56x224xf32, #tpu.memory_space<vmem>>) dst(%dma_wait3A_441 : memref<56x224xf32, #tpu.memory_space<hbm>>)
      } else {
      }
      %scan3A_183 = arith.constant 0 : i32
      %scan3A_184 = arith.constant 56 : i32
      %scan3A_185 = arith.addi %scan3A_183, %scan3A_184 : i32
      %scan3A_186 = arith.constant 1 : i32
      scf.for %scan3A_390 = %scan3A_183 to %scan3A_185 step %scan3A_186  : i32 {
        %mul3A_391 = arith.constant 1 : i32
        %mul3A_392 = arith.muli %scan3A_390, %mul3A_391 : i32
        %add3A_393 = arith.constant 0 : i32
        %add3A_394 = arith.addi %add3A_393, %mul3A_392 : i32
        %get3A_395 = arith.index_cast %add3A_394 : i32 to index
        %get3A_396 = arith.constant 0 : index
        %get3A_397 = tpu.vector_load %arg8[%get3A_395, %get3A_396] {strides = array<i32>} : memref<56x224xf32, #tpu.memory_space<vmem>>, vector<1x16xf32>,
        %get3A_398 = vector.shape_cast %get3A_397 : vector<1x16xf32> to vector<16xf32>
        %get3A_399 = arith.index_cast %add3A_394 : i32 to index
        %get3A_400 = arith.constant 0 : index
        %get3A_401 = tpu.vector_load %arg9[%get3A_399, %get3A_400] {strides = array<i32>} : memref<56x224xf32, #tpu.memory_space<vmem>>, vector<1x16xf32>,
        %get3A_402 = vector.shape_cast %get3A_401 : vector<1x16xf32> to vector<16xf32>
        %mul3A_403 = arith.constant 0.370615482 : f32
        %mul3A_404 = vector.broadcast %mul3A_403 : f32 to vector<16xf32>
        %mul3A_405 = arith.mulf %get3A_398, %mul3A_404 : vector<16xf32>
        %mul3A_406 = arith.constant 0.629384517 : f32
        %mul3A_407 = vector.broadcast %mul3A_406 : f32 to vector<16xf32>
        %mul3A_408 = arith.mulf %get3A_402, %mul3A_407 : vector<16xf32>
        %add3A_409 = arith.addf %mul3A_405, %mul3A_408 : vector<16xf32>
        %swap3A = arith.index_cast %add3A_394 : i32 to index
        %swap3A_410 = arith.constant 0 : index
        %swap3A_411 = tpu.vector_load %arg10[%swap3A, %swap3A_410] {strides = array<i32>} : memref<56x224xf32, #tpu.memory_space<vmem>>, vector<1x16xf32>,
        %swap3A_412 = vector.shape_cast %swap3A_411 : vector<1x16xf32> to vector<16xf32>
        %swap3A_413 = vector.shape_cast %add3A_409 : vector<16xf32> to vector<1x16xf32>
        tpu.vector_store %arg10[%swap3A, %swap3A_410], %swap3A_413 {strides = array<i32>} : memref<56x224xf32, #tpu.memory_space<vmem>>, vector<1x16xf32>,
        %get3A_414 = arith.index_cast %add3A_394 : i32 to index
        %get3A_415 = arith.constant 16 : index
        %get3A_416 = tpu.vector_load %arg8[%get3A_414, %get3A_415] {strides = array<i32>} : memref<56x224xf32, #tpu.memory_space<vmem>>, vector<1x16xf32>,
        %get3A_417 = vector.shape_cast %get3A_416 : vector<1x16xf32> to vector<16xf32>
        %get3A_418 = arith.index_cast %add3A_394 : i32 to index
        %get3A_419 = arith.constant 16 : index
        %get3A_420 = tpu.vector_load %arg9[%get3A_418, %get3A_419] {strides = array<i32>} : memref<56x224xf32, #tpu.memory_space<vmem>>, vector<1x16xf32>,
        %get3A_421 = vector.shape_cast %get3A_420 : vector<1x16xf32> to vector<16xf32>
        %mul3A_422 = arith.constant 0.370615482 : f32
        %mul3A_423 = vector.broadcast %mul3A_422 : f32 to vector<16xf32>
        %mul3A_424 = arith.mulf %get3A_417, %mul3A_423 : vector<16xf32>
        %mul3A_425 = arith.constant 0.629384517 : f32
        %mul3A_426 = vector.broadcast %mul3A_425 : f32 to vector<16xf32>
        %mul3A_427 = arith.mulf %get3A_421, %mul3A_426 : vector<16xf32>
        %add3A_428 = arith.addf %mul3A_424, %mul3A_427 : vector<16xf32>
        %swap3A_429 = arith.index_cast %add3A_394 : i32 to index
        %swap3A_430 = arith.constant 16 : index
        %swap3A_431 = tpu.vector_load %arg10[%swap3A_429, %swap3A_430] {strides = array<i32>} : memref<56x224xf32, #tpu.memory_space<vmem>>, vector<1x16xf32>,
        %swap3A_432 = vector.shape_cast %swap3A_431 : vector<1x16xf32> to vector<16xf32>
        %swap3A_433 = vector.shape_cast %add3A_428 : vector<16xf32> to vector<1x16xf32>
        tpu.vector_store %arg10[%swap3A_429, %swap3A_430], %swap3A_433 {strides = array<i32>} : memref<56x224xf32, #tpu.memory_space<vmem>>, vector<1x16xf32>,
        %get3A_434 = arith.index_cast %add3A_394 : i32 to index
        %get3A_435 = arith.constant 32 : index
        %get3A_436 = tpu.vector_load %arg8[%get3A_434, %get3A_435] {strides = array<i32>} : memref<56x224xf32, #tpu.memory_space<vmem>>, vector<1x16xf32>,
        %get3A_437 = vector.shape_cast %get3A_436 : vector<1x16xf32> to vector<16xf32>
        %get3A_438 = arith.index_cast %add3A_394 : i32 to index
        %get3A_439 = arith.constant 32 : index
        %get3A_440 = tpu.vector_load %arg9[%get3A_438, %get3A_439] {strides = array<i32>} : memref<56x224xf32, #tpu.memory_space<vmem>>, vector<1x16xf32>,
        %get3A_441 = vector.shape_cast %get3A_440 : vector<1x16xf32> to vector<16xf32>
        %mul3A_442 = arith.constant 0.370615482 : f32
        %mul3A_443 = vector.broadcast %mul3A_442 : f32 to vector<16xf32>
        %mul3A_444 = arith.mulf %get3A_437, %mul3A_443 : vector<16xf32>
        %mul3A_445 = arith.constant 0.629384517 : f32
        %mul3A_446 = vector.broadcast %mul3A_445 : f32 to vector<16xf32>
        %mul3A_447 = arith.mulf %get3A_441, %mul3A_446 : vector<16xf32>
        %add3A_448 = arith.addf %mul3A_444, %mul3A_447 : vector<16xf32>
        %swap3A_449 = arith.index_cast %add3A_394 : i32 to index
        %swap3A_450 = arith.constant 32 : index
        %swap3A_451 = tpu.vector_load %arg10[%swap3A_449, %swap3A_450] {strides = array<i32>} : memref<56x224xf32, #tpu.memory_space<vmem>>, vector<1x16xf32>,
        %swap3A_452 = vector.shape_cast %swap3A_451 : vector<1x16xf32> to vector<16xf32>
        %swap3A_453 = vector.shape_cast %add3A_448 : vector<16xf32> to vector<1x16xf32>
        tpu.vector_store %arg10[%swap3A_449, %swap3A_450], %swap3A_453 {strides = array<i32>} : memref<56x224xf32, #tpu.memory_space<vmem>>, vector<1x16xf32>,
        %get3A_454 = arith.index_cast %add3A_394 : i32 to index
        %get3A_455 = arith.constant 48 : index
        %get3A_456 = tpu.vector_load %arg8[%get3A_454, %get3A_455] {strides = array<i32>} : memref<56x224xf32, #tpu.memory_space<vmem>>, vector<1x16xf32>,
        %get3A_457 = vector.shape_cast %get3A_456 : vector<1x16xf32> to vector<16xf32>
        %get3A_458 = arith.index_cast %add3A_394 : i32 to index
        %get3A_459 = arith.constant 48 : index
        %get3A_460 = tpu.vector_load %arg9[%get3A_458, %get3A_459] {strides = array<i32>} : memref<56x224xf32, #tpu.memory_space<vmem>>, vector<1x16xf32>,
        %get3A_461 = vector.shape_cast %get3A_460 : vector<1x16xf32> to vector<16xf32>
        %mul3A_462 = arith.constant 0.370615482 : f32
        %mul3A_463 = vector.broadcast %mul3A_462 : f32 to vector<16xf32>
        %mul3A_464 = arith.mulf %get3A_457, %mul3A_463 : vector<16xf32>
        %mul3A_465 = arith.constant 0.629384517 : f32
        %mul3A_466 = vector.broadcast %mul3A_465 : f32 to vector<16xf32>
        %mul3A_467 = arith.mulf %get3A_461, %mul3A_466 : vector<16xf32>
        %add3A_468 = arith.addf %mul3A_464, %mul3A_467 : vector<16xf32>
        %swap3A_469 = arith.index_cast %add3A_394 : i32 to index
        %swap3A_470 = arith.constant 48 : index
        %swap3A_471 = tpu.vector_load %arg10[%swap3A_469, %swap3A_470] {strides = array<i32>} : memref<56x224xf32, #tpu.memory_space<vmem>>, vector<1x16xf32>,
        %swap3A_472 = vector.shape_cast %swap3A_471 : vector<1x16xf32> to vector<16xf32>
        %swap3A_473 = vector.shape_cast %add3A_468 : vector<16xf32> to vector<1x16xf32>
        tpu.vector_store %arg10[%swap3A_469, %swap3A_470], %swap3A_473 {strides = array<i32>} : memref<56x224xf32, #tpu.memory_space<vmem>>, vector<1x16xf32>,
        %get3A_474 = arith.index_cast %add3A_394 : i32 to index
        %get3A_475 = arith.constant 64 : index
        %get3A_476 = tpu.vector_load %arg8[%get3A_474, %get3A_475] {strides = array<i32>} : memref<56x224xf32, #tpu.memory_space<vmem>>, vector<1x16xf32>,
        %get3A_477 = vector.shape_cast %get3A_476 : vector<1x16xf32> to vector<16xf32>
        %get3A_478 = arith.index_cast %add3A_394 : i32 to index
        %get3A_479 = arith.constant 64 : index
        %get3A_480 = tpu.vector_load %arg9[%get3A_478, %get3A_479] {strides = array<i32>} : memref<56x224xf32, #tpu.memory_space<vmem>>, vector<1x16xf32>,
        %get3A_481 = vector.shape_cast %get3A_480 : vector<1x16xf32> to vector<16xf32>
        %mul3A_482 = arith.constant 0.370615482 : f32
        %mul3A_483 = vector.broadcast %mul3A_482 : f32 to vector<16xf32>
        %mul3A_484 = arith.mulf %get3A_477, %mul3A_483 : vector<16xf32>
        %mul3A_485 = arith.constant 0.629384517 : f32
        %mul3A_486 = vector.broadcast %mul3A_485 : f32 to vector<16xf32>
        %mul3A_487 = arith.mulf %get3A_481, %mul3A_486 : vector<16xf32>
        %add3A_488 = arith.addf %mul3A_484, %mul3A_487 : vector<16xf32>
        %swap3A_489 = arith.index_cast %add3A_394 : i32 to index
        %swap3A_490 = arith.constant 64 : index
        %swap3A_491 = tpu.vector_load %arg10[%swap3A_489, %swap3A_490] {strides = array<i32>} : memref<56x224xf32, #tpu.memory_space<vmem>>, vector<1x16xf32>,
        %swap3A_492 = vector.shape_cast %swap3A_491 : vector<1x16xf32> to vector<16xf32>
        %swap3A_493 = vector.shape_cast %add3A_488 : vector<16xf32> to vector<1x16xf32>
        tpu.vector_store %arg10[%swap3A_489, %swap3A_490], %swap3A_493 {strides = array<i32>} : memref<56x224xf32, #tpu.memory_space<vmem>>, vector<1x16xf32>,
        %get3A_494 = arith.index_cast %add3A_394 : i32 to index
        %get3A_495 = arith.constant 80 : index
        %get3A_496 = tpu.vector_load %arg8[%get3A_494, %get3A_495] {strides = array<i32>} : memref<56x224xf32, #tpu.memory_space<vmem>>, vector<1x16xf32>,
        %get3A_497 = vector.shape_cast %get3A_496 : vector<1x16xf32> to vector<16xf32>
        %get3A_498 = arith.index_cast %add3A_394 : i32 to index
        %get3A_499 = arith.constant 80 : index
        %get3A_500 = tpu.vector_load %arg9[%get3A_498, %get3A_499] {strides = array<i32>} : memref<56x224xf32, #tpu.memory_space<vmem>>, vector<1x16xf32>,
        %get3A_501 = vector.shape_cast %get3A_500 : vector<1x16xf32> to vector<16xf32>
        %mul3A_502 = arith.constant 0.370615482 : f32
        %mul3A_503 = vector.broadcast %mul3A_502 : f32 to vector<16xf32>
        %mul3A_504 = arith.mulf %get3A_497, %mul3A_503 : vector<16xf32>
        %mul3A_505 = arith.constant 0.629384517 : f32
        %mul3A_506 = vector.broadcast %mul3A_505 : f32 to vector<16xf32>
        %mul3A_507 = arith.mulf %get3A_501, %mul3A_506 : vector<16xf32>
        %add3A_508 = arith.addf %mul3A_504, %mul3A_507 : vector<16xf32>
        %swap3A_509 = arith.index_cast %add3A_394 : i32 to index
        %swap3A_510 = arith.constant 80 : index
        %swap3A_511 = tpu.vector_load %arg10[%swap3A_509, %swap3A_510] {strides = array<i32>} : memref<56x224xf32, #tpu.memory_space<vmem>>, vector<1x16xf32>,
        %swap3A_512 = vector.shape_cast %swap3A_511 : vector<1x16xf32> to vector<16xf32>
        %swap3A_513 = vector.shape_cast %add3A_508 : vector<16xf32> to vector<1x16xf32>
        tpu.vector_store %arg10[%swap3A_509, %swap3A_510], %swap3A_513 {strides = array<i32>} : memref<56x224xf32, #tpu.memory_space<vmem>>, vector<1x16xf32>,
        %get3A_514 = arith.index_cast %add3A_394 : i32 to index
        %get3A_515 = arith.constant 96 : index
        %get3A_516 = tpu.vector_load %arg8[%get3A_514, %get3A_515] {strides = array<i32>} : memref<56x224xf32, #tpu.memory_space<vmem>>, vector<1x16xf32>,
        %get3A_517 = vector.shape_cast %get3A_516 : vector<1x16xf32> to vector<16xf32>
        %get3A_518 = arith.index_cast %add3A_394 : i32 to index
        %get3A_519 = arith.constant 96 : index
        %get3A_520 = tpu.vector_load %arg9[%get3A_518, %get3A_519] {strides = array<i32>} : memref<56x224xf32, #tpu.memory_space<vmem>>, vector<1x16xf32>,
        %get3A_521 = vector.shape_cast %get3A_520 : vector<1x16xf32> to vector<16xf32>
        %mul3A_522 = arith.constant 0.370615482 : f32
        %mul3A_523 = vector.broadcast %mul3A_522 : f32 to vector<16xf32>
        %mul3A_524 = arith.mulf %get3A_517, %mul3A_523 : vector<16xf32>
        %mul3A_525 = arith.constant 0.629384517 : f32
        %mul3A_526 = vector.broadcast %mul3A_525 : f32 to vector<16xf32>
        %mul3A_527 = arith.mulf %get3A_521, %mul3A_526 : vector<16xf32>
        %add3A_528 = arith.addf %mul3A_524, %mul3A_527 : vector<16xf32>
        %swap3A_529 = arith.index_cast %add3A_394 : i32 to index
        %swap3A_530 = arith.constant 96 : index
        %swap3A_531 = tpu.vector_load %arg10[%swap3A_529, %swap3A_530] {strides = array<i32>} : memref<56x224xf32, #tpu.memory_space<vmem>>, vector<1x16xf32>,
        %swap3A_532 = vector.shape_cast %swap3A_531 : vector<1x16xf32> to vector<16xf32>
        %swap3A_533 = vector.shape_cast %add3A_528 : vector<16xf32> to vector<1x16xf32>
        tpu.vector_store %arg10[%swap3A_529, %swap3A_530], %swap3A_533 {strides = array<i32>} : memref<56x224xf32, #tpu.memory_space<vmem>>, vector<1x16xf32>,
        %get3A_534 = arith.index_cast %add3A_394 : i32 to index
        %get3A_535 = arith.constant 112 : index
        %get3A_536 = tpu.vector_load %arg8[%get3A_534, %get3A_535] {strides = array<i32>} : memref<56x224xf32, #tpu.memory_space<vmem>>, vector<1x16xf32>,
        %get3A_537 = vector.shape_cast %get3A_536 : vector<1x16xf32> to vector<16xf32>
        %get3A_538 = arith.index_cast %add3A_394 : i32 to index
        %get3A_539 = arith.constant 112 : index
        %get3A_540 = tpu.vector_load %arg9[%get3A_538, %get3A_539] {strides = array<i32>} : memref<56x224xf32, #tpu.memory_space<vmem>>, vector<1x16xf32>,
        %get3A_541 = vector.shape_cast %get3A_540 : vector<1x16xf32> to vector<16xf32>
        %mul3A_542 = arith.constant 0.370615482 : f32
        %mul3A_543 = vector.broadcast %mul3A_542 : f32 to vector<16xf32>
        %mul3A_544 = arith.mulf %get3A_537, %mul3A_543 : vector<16xf32>
        %mul3A_545 = arith.constant 0.629384517 : f32
        %mul3A_546 = vector.broadcast %mul3A_545 : f32 to vector<16xf32>
        %mul3A_547 = arith.mulf %get3A_541, %mul3A_546 : vector<16xf32>
        %add3A_548 = arith.addf %mul3A_544, %mul3A_547 : vector<16xf32>
        %swap3A_549 = arith.index_cast %add3A_394 : i32 to index
        %swap3A_550 = arith.constant 112 : index
        %swap3A_551 = tpu.vector_load %arg10[%swap3A_549, %swap3A_550] {strides = array<i32>} : memref<56x224xf32, #tpu.memory_space<vmem>>, vector<1x16xf32>,
        %swap3A_552 = vector.shape_cast %swap3A_551 : vector<1x16xf32> to vector<16xf32>
        %swap3A_553 = vector.shape_cast %add3A_548 : vector<16xf32> to vector<1x16xf32>
        tpu.vector_store %arg10[%swap3A_549, %swap3A_550], %swap3A_553 {strides = array<i32>} : memref<56x224xf32, #tpu.memory_space<vmem>>, vector<1x16xf32>,
        %get3A_554 = arith.index_cast %add3A_394 : i32 to index
        %get3A_555 = arith.constant 128 : index
        %get3A_556 = tpu.vector_load %arg8[%get3A_554, %get3A_555] {strides = array<i32>} : memref<56x224xf32, #tpu.memory_space<vmem>>, vector<1x16xf32>,
        %get3A_557 = vector.shape_cast %get3A_556 : vector<1x16xf32> to vector<16xf32>
        %get3A_558 = arith.index_cast %add3A_394 : i32 to index
        %get3A_559 = arith.constant 128 : index
        %get3A_560 = tpu.vector_load %arg9[%get3A_558, %get3A_559] {strides = array<i32>} : memref<56x224xf32, #tpu.memory_space<vmem>>, vector<1x16xf32>,
        %get3A_561 = vector.shape_cast %get3A_560 : vector<1x16xf32> to vector<16xf32>
        %mul3A_562 = arith.constant 0.370615482 : f32
        %mul3A_563 = vector.broadcast %mul3A_562 : f32 to vector<16xf32>
        %mul3A_564 = arith.mulf %get3A_557, %mul3A_563 : vector<16xf32>
        %mul3A_565 = arith.constant 0.629384517 : f32
        %mul3A_566 = vector.broadcast %mul3A_565 : f32 to vector<16xf32>
        %mul3A_567 = arith.mulf %get3A_561, %mul3A_566 : vector<16xf32>
        %add3A_568 = arith.addf %mul3A_564, %mul3A_567 : vector<16xf32>
        %swap3A_569 = arith.index_cast %add3A_394 : i32 to index
        %swap3A_570 = arith.constant 128 : index
        %swap3A_571 = tpu.vector_load %arg10[%swap3A_569, %swap3A_570] {strides = array<i32>} : memref<56x224xf32, #tpu.memory_space<vmem>>, vector<1x16xf32>,
        %swap3A_572 = vector.shape_cast %swap3A_571 : vector<1x16xf32> to vector<16xf32>
        %swap3A_573 = vector.shape_cast %add3A_568 : vector<16xf32> to vector<1x16xf32>
        tpu.vector_store %arg10[%swap3A_569, %swap3A_570], %swap3A_573 {strides = array<i32>} : memref<56x224xf32, #tpu.memory_space<vmem>>, vector<1x16xf32>,
        %get3A_574 = arith.index_cast %add3A_394 : i32 to index
        %get3A_575 = arith.constant 144 : index
        %get3A_576 = tpu.vector_load %arg8[%get3A_574, %get3A_575] {strides = array<i32>} : memref<56x224xf32, #tpu.memory_space<vmem>>, vector<1x16xf32>,
        %get3A_577 = vector.shape_cast %get3A_576 : vector<1x16xf32> to vector<16xf32>
        %get3A_578 = arith.index_cast %add3A_394 : i32 to index
        %get3A_579 = arith.constant 144 : index
        %get3A_580 = tpu.vector_load %arg9[%get3A_578, %get3A_579] {strides = array<i32>} : memref<56x224xf32, #tpu.memory_space<vmem>>, vector<1x16xf32>,
        %get3A_581 = vector.shape_cast %get3A_580 : vector<1x16xf32> to vector<16xf32>
        %mul3A_582 = arith.constant 0.370615482 : f32
        %mul3A_583 = vector.broadcast %mul3A_582 : f32 to vector<16xf32>
        %mul3A_584 = arith.mulf %get3A_577, %mul3A_583 : vector<16xf32>
        %mul3A_585 = arith.constant 0.629384517 : f32
        %mul3A_586 = vector.broadcast %mul3A_585 : f32 to vector<16xf32>
        %mul3A_587 = arith.mulf %get3A_581, %mul3A_586 : vector<16xf32>
        %add3A_588 = arith.addf %mul3A_584, %mul3A_587 : vector<16xf32>
        %swap3A_589 = arith.index_cast %add3A_394 : i32 to index
        %swap3A_590 = arith.constant 144 : index
        %swap3A_591 = tpu.vector_load %arg10[%swap3A_589, %swap3A_590] {strides = array<i32>} : memref<56x224xf32, #tpu.memory_space<vmem>>, vector<1x16xf32>,
        %swap3A_592 = vector.shape_cast %swap3A_591 : vector<1x16xf32> to vector<16xf32>
        %swap3A_593 = vector.shape_cast %add3A_588 : vector<16xf32> to vector<1x16xf32>
        tpu.vector_store %arg10[%swap3A_589, %swap3A_590], %swap3A_593 {strides = array<i32>} : memref<56x224xf32, #tpu.memory_space<vmem>>, vector<1x16xf32>,
        %get3A_594 = arith.index_cast %add3A_394 : i32 to index
        %get3A_595 = arith.constant 160 : index
        %get3A_596 = tpu.vector_load %arg8[%get3A_594, %get3A_595] {strides = array<i32>} : memref<56x224xf32, #tpu.memory_space<vmem>>, vector<1x16xf32>,
        %get3A_597 = vector.shape_cast %get3A_596 : vector<1x16xf32> to vector<16xf32>
        %get3A_598 = arith.index_cast %add3A_394 : i32 to index
        %get3A_599 = arith.constant 160 : index
        %get3A_600 = tpu.vector_load %arg9[%get3A_598, %get3A_599] {strides = array<i32>} : memref<56x224xf32, #tpu.memory_space<vmem>>, vector<1x16xf32>,
        %get3A_601 = vector.shape_cast %get3A_600 : vector<1x16xf32> to vector<16xf32>
        %mul3A_602 = arith.constant 0.370615482 : f32
        %mul3A_603 = vector.broadcast %mul3A_602 : f32 to vector<16xf32>
        %mul3A_604 = arith.mulf %get3A_597, %mul3A_603 : vector<16xf32>
        %mul3A_605 = arith.constant 0.629384517 : f32
        %mul3A_606 = vector.broadcast %mul3A_605 : f32 to vector<16xf32>
        %mul3A_607 = arith.mulf %get3A_601, %mul3A_606 : vector<16xf32>
        %add3A_608 = arith.addf %mul3A_604, %mul3A_607 : vector<16xf32>
        %swap3A_609 = arith.index_cast %add3A_394 : i32 to index
        %swap3A_610 = arith.constant 160 : index
        %swap3A_611 = tpu.vector_load %arg10[%swap3A_609, %swap3A_610] {strides = array<i32>} : memref<56x224xf32, #tpu.memory_space<vmem>>, vector<1x16xf32>,
        %swap3A_612 = vector.shape_cast %swap3A_611 : vector<1x16xf32> to vector<16xf32>
        %swap3A_613 = vector.shape_cast %add3A_608 : vector<16xf32> to vector<1x16xf32>
        tpu.vector_store %arg10[%swap3A_609, %swap3A_610], %swap3A_613 {strides = array<i32>} : memref<56x224xf32, #tpu.memory_space<vmem>>, vector<1x16xf32>,
        %get3A_614 = arith.index_cast %add3A_394 : i32 to index
        %get3A_615 = arith.constant 176 : index
        %get3A_616 = tpu.vector_load %arg8[%get3A_614, %get3A_615] {strides = array<i32>} : memref<56x224xf32, #tpu.memory_space<vmem>>, vector<1x16xf32>,
        %get3A_617 = vector.shape_cast %get3A_616 : vector<1x16xf32> to vector<16xf32>
        %get3A_618 = arith.index_cast %add3A_394 : i32 to index
        %get3A_619 = arith.constant 176 : index
        %get3A_620 = tpu.vector_load %arg9[%get3A_618, %get3A_619] {strides = array<i32>} : memref<56x224xf32, #tpu.memory_space<vmem>>, vector<1x16xf32>,
        %get3A_621 = vector.shape_cast %get3A_620 : vector<1x16xf32> to vector<16xf32>
        %mul3A_622 = arith.constant 0.370615482 : f32
        %mul3A_623 = vector.broadcast %mul3A_622 : f32 to vector<16xf32>
        %mul3A_624 = arith.mulf %get3A_617, %mul3A_623 : vector<16xf32>
        %mul3A_625 = arith.constant 0.629384517 : f32
        %mul3A_626 = vector.broadcast %mul3A_625 : f32 to vector<16xf32>
        %mul3A_627 = arith.mulf %get3A_621, %mul3A_626 : vector<16xf32>
        %add3A_628 = arith.addf %mul3A_624, %mul3A_627 : vector<16xf32>
        %swap3A_629 = arith.index_cast %add3A_394 : i32 to index
        %swap3A_630 = arith.constant 176 : index
        %swap3A_631 = tpu.vector_load %arg10[%swap3A_629, %swap3A_630] {strides = array<i32>} : memref<56x224xf32, #tpu.memory_space<vmem>>, vector<1x16xf32>,
        %swap3A_632 = vector.shape_cast %swap3A_631 : vector<1x16xf32> to vector<16xf32>
        %swap3A_633 = vector.shape_cast %add3A_628 : vector<16xf32> to vector<1x16xf32>
        tpu.vector_store %arg10[%swap3A_629, %swap3A_630], %swap3A_633 {strides = array<i32>} : memref<56x224xf32, #tpu.memory_space<vmem>>, vector<1x16xf32>,
        %get3A_634 = arith.index_cast %add3A_394 : i32 to index
        %get3A_635 = arith.constant 192 : index
        %get3A_636 = tpu.vector_load %arg8[%get3A_634, %get3A_635] {strides = array<i32>} : memref<56x224xf32, #tpu.memory_space<vmem>>, vector<1x16xf32>,
        %get3A_637 = vector.shape_cast %get3A_636 : vector<1x16xf32> to vector<16xf32>
        %get3A_638 = arith.index_cast %add3A_394 : i32 to index
        %get3A_639 = arith.constant 192 : index
        %get3A_640 = tpu.vector_load %arg9[%get3A_638, %get3A_639] {strides = array<i32>} : memref<56x224xf32, #tpu.memory_space<vmem>>, vector<1x16xf32>,
        %get3A_641 = vector.shape_cast %get3A_640 : vector<1x16xf32> to vector<16xf32>
        %mul3A_642 = arith.constant 0.370615482 : f32
        %mul3A_643 = vector.broadcast %mul3A_642 : f32 to vector<16xf32>
        %mul3A_644 = arith.mulf %get3A_637, %mul3A_643 : vector<16xf32>
        %mul3A_645 = arith.constant 0.629384517 : f32
        %mul3A_646 = vector.broadcast %mul3A_645 : f32 to vector<16xf32>
        %mul3A_647 = arith.mulf %get3A_641, %mul3A_646 : vector<16xf32>
        %add3A_648 = arith.addf %mul3A_644, %mul3A_647 : vector<16xf32>
        %swap3A_649 = arith.index_cast %add3A_394 : i32 to index
        %swap3A_650 = arith.constant 192 : index
        %swap3A_651 = tpu.vector_load %arg10[%swap3A_649, %swap3A_650] {strides = array<i32>} : memref<56x224xf32, #tpu.memory_space<vmem>>, vector<1x16xf32>,
        %swap3A_652 = vector.shape_cast %swap3A_651 : vector<1x16xf32> to vector<16xf32>
        %swap3A_653 = vector.shape_cast %add3A_648 : vector<16xf32> to vector<1x16xf32>
        tpu.vector_store %arg10[%swap3A_649, %swap3A_650], %swap3A_653 {strides = array<i32>} : memref<56x224xf32, #tpu.memory_space<vmem>>, vector<1x16xf32>,
        %get3A_654 = arith.index_cast %add3A_394 : i32 to index
        %get3A_655 = arith.constant 208 : index
        %get3A_656 = tpu.vector_load %arg8[%get3A_654, %get3A_655] {strides = array<i32>} : memref<56x224xf32, #tpu.memory_space<vmem>>, vector<1x16xf32>,
        %get3A_657 = vector.shape_cast %get3A_656 : vector<1x16xf32> to vector<16xf32>
        %get3A_658 = arith.index_cast %add3A_394 : i32 to index
        %get3A_659 = arith.constant 208 : index
        %get3A_660 = tpu.vector_load %arg9[%get3A_658, %get3A_659] {strides = array<i32>} : memref<56x224xf32, #tpu.memory_space<vmem>>, vector<1x16xf32>,
        %get3A_661 = vector.shape_cast %get3A_660 : vector<1x16xf32> to vector<16xf32>
        %mul3A_662 = arith.constant 0.370615482 : f32
        %mul3A_663 = vector.broadcast %mul3A_662 : f32 to vector<16xf32>
        %mul3A_664 = arith.mulf %get3A_657, %mul3A_663 : vector<16xf32>
        %mul3A_665 = arith.constant 0.629384517 : f32
        %mul3A_666 = vector.broadcast %mul3A_665 : f32 to vector<16xf32>
        %mul3A_667 = arith.mulf %get3A_661, %mul3A_666 : vector<16xf32>
        %add3A_668 = arith.addf %mul3A_664, %mul3A_667 : vector<16xf32>
        %swap3A_669 = arith.index_cast %add3A_394 : i32 to index
        %swap3A_670 = arith.constant 208 : index
        %swap3A_671 = tpu.vector_load %arg10[%swap3A_669, %swap3A_670] {strides = array<i32>} : memref<56x224xf32, #tpu.memory_space<vmem>>, vector<1x16xf32>,
        %swap3A_672 = vector.shape_cast %swap3A_671 : vector<1x16xf32> to vector<16xf32>
        %swap3A_673 = vector.shape_cast %add3A_668 : vector<16xf32> to vector<1x16xf32>
        tpu.vector_store %arg10[%swap3A_669, %swap3A_670], %swap3A_673 {strides = array<i32>} : memref<56x224xf32, #tpu.memory_space<vmem>>, vector<1x16xf32>,
      }
      %scan3A_187 = arith.constant 56 : i32
      %jit3A_188 = arith.constant 12 : i32
      %div3A_189 = arith.divsi %add3A_105, %jit3A_188 : i32
      %sign3A_190 = arith.constant 0 : i32
      %sign3A_191 = arith.cmpi sgt, %add3A_105, %sign3A_190 : i32
      %sign3A_192 = arith.extui %sign3A_191 : i1 to i32
      %sign3A_193 = arith.constant 0 : i32
      %sign3A_194 = arith.cmpi slt, %add3A_105, %sign3A_193 : i32
      %sign3A_195 = arith.extui %sign3A_194 : i1 to i32
      %sign3A_196 = arith.subi %sign3A_192, %sign3A_195 : i32
      %sign3A_197 = arith.constant 0 : i32
      %sign3A_198 = arith.cmpi sgt, %jit3A_188, %sign3A_197 : i32
      %sign3A_199 = arith.extui %sign3A_198 : i1 to i32
      %sign3A_200 = arith.constant 0 : i32
      %sign3A_201 = arith.cmpi slt, %jit3A_188, %sign3A_200 : i32
      %sign3A_202 = arith.extui %sign3A_201 : i1 to i32
      %sign3A_203 = arith.subi %sign3A_199, %sign3A_202 : i32
      %ne3A_204 = arith.cmpi ne, %sign3A_196, %sign3A_203 : i32
      %rem3A_205 = arith.remsi %add3A_105, %jit3A_188 : i32
      %ne3A_206 = arith.constant 0 : i32
      %ne3A_207 = arith.cmpi ne, %rem3A_205, %ne3A_206 : i32
      %and3A_208 = arith.andi %ne3A_204, %ne3A_207 : i1
      %sub3A_209 = arith.constant 1 : i32
      %sub3A_210 = arith.subi %div3A_189, %sub3A_209 : i32
      %select_n3A_211 = arith.select %and3A_208, %sub3A_210, %div3A_189 : i32
      %mul3A_212 = arith.constant 672 : i32
      %mul3A_213 = arith.muli %select_n3A_211, %mul3A_212 : i32
      %add3A_214 = arith.addi %mul3A_4, %mul3A_213 : i32
      %jit3A_215 = arith.constant 12 : i32
      %eq3A_216 = arith.constant 0 : i32
      %eq3A_217 = arith.cmpi eq, %jit3A_215, %eq3A_216 : i32
      %jit3A_218 = arith.constant 1 : i32
      %select_n3A_219 = arith.select %eq3A_217, %jit3A_218, %jit3A_215 : i32
      %rem3A_220 = arith.remsi %add3A_105, %select_n3A_219 : i32
      %ne3A_221 = arith.constant 0 : i32
      %ne3A_222 = arith.cmpi ne, %rem3A_220, %ne3A_221 : i32
      %lt3A_223 = arith.constant 0 : i32
      %lt3A_224 = arith.cmpi slt, %rem3A_220, %lt3A_223 : i32
      %lt3A_225 = arith.constant 0 : i32
      %lt3A_226 = arith.cmpi slt, %select_n3A_219, %lt3A_225 : i32
      %ne3A_227 = arith.xori %lt3A_224, %lt3A_226 : i1
      %and3A_228 = arith.andi %ne3A_227, %ne3A_222 : i1
      %add3A_229 = arith.addi %rem3A_220, %select_n3A_219 : i32
      %select_n3A_230 = arith.select %and3A_228, %add3A_229, %rem3A_220 : i32
      %mul3A_231 = arith.constant 56 : i32
      %mul3A_232 = arith.muli %select_n3A_230, %mul3A_231 : i32
      %add3A_233 = arith.addi %add3A_214, %mul3A_232 : i32
      %dma_start3A_234 = arith.constant 0 : i32
      %dma_start3A_235 = tpu.memref_slice %arg5[%add3A_233, %dma_start3A_234] : memref<172032x224xf32, #tpu.memory_space<hbm>> -> memref<56x224xf32, #tpu.memory_space<hbm>>
      %dma_start3A_236 = arith.constant 0 : i32
      %dma_start3A_237 = tpu.memref_slice %arg5[%add3A_233, %dma_start3A_236] : memref<172032x224xf32, #tpu.memory_space<hbm>> -> memref<56x224xf32, #tpu.memory_space<hbm>>
      tpu.enqueue_dma source(%arg10 : memref<56x224xf32, #tpu.memory_space<vmem>>) target(%dma_start3A_237 : memref<56x224xf32, #tpu.memory_space<hbm>>) target_semaphore(%arg18 : memref<!tpu.dma_semaphore, #tpu.memory_space<semaphore_mem>>)
      %lt3A_238 = arith.constant 94 : i32
      %lt3A_239 = arith.cmpi slt, %add3A_103, %lt3A_238 : i32
      %convert_element_type3A_240 = arith.extui %lt3A_239 : i1 to i32
      %cond3A_241 = arith.constant 0 : i32
      %cond3A_242 = arith.cmpi ne, %convert_element_type3A_240, %cond3A_241 : i32
      scf.if %cond3A_242 {
        %add3A_390 = arith.constant 2 : i32
        %add3A_391 = arith.addi %add3A_105, %add3A_390 : i32
        %jit3A_392 = arith.constant 12 : i32
        %div3A_393 = arith.divsi %add3A_391, %jit3A_392 : i32
        %sign3A_394 = arith.constant 0 : i32
        %sign3A_395 = arith.cmpi sgt, %add3A_391, %sign3A_394 : i32
        %sign3A_396 = arith.extui %sign3A_395 : i1 to i32
        %sign3A_397 = arith.constant 0 : i32
        %sign3A_398 = arith.cmpi slt, %add3A_391, %sign3A_397 : i32
        %sign3A_399 = arith.extui %sign3A_398 : i1 to i32
        %sign3A_400 = arith.subi %sign3A_396, %sign3A_399 : i32
        %sign3A_401 = arith.constant 0 : i32
        %sign3A_402 = arith.cmpi sgt, %jit3A_392, %sign3A_401 : i32
        %sign3A_403 = arith.extui %sign3A_402 : i1 to i32
        %sign3A_404 = arith.constant 0 : i32
        %sign3A_405 = arith.cmpi slt, %jit3A_392, %sign3A_404 : i32
        %sign3A_406 = arith.extui %sign3A_405 : i1 to i32
        %sign3A_407 = arith.subi %sign3A_403, %sign3A_406 : i32
        %ne3A_408 = arith.cmpi ne, %sign3A_400, %sign3A_407 : i32
        %rem3A_409 = arith.remsi %add3A_391, %jit3A_392 : i32
        %ne3A_410 = arith.constant 0 : i32
        %ne3A_411 = arith.cmpi ne, %rem3A_409, %ne3A_410 : i32
        %and3A_412 = arith.andi %ne3A_408, %ne3A_411 : i1
        %sub3A_413 = arith.constant 1 : i32
        %sub3A_414 = arith.subi %div3A_393, %sub3A_413 : i32
        %select_n3A_415 = arith.select %and3A_412, %sub3A_414, %div3A_393 : i32
        %jit3A_416 = arith.constant 12 : i32
        %eq3A_417 = arith.constant 0 : i32
        %eq3A_418 = arith.cmpi eq, %jit3A_416, %eq3A_417 : i32
        %jit3A_419 = arith.constant 1 : i32
        %select_n3A_420 = arith.select %eq3A_418, %jit3A_419, %jit3A_416 : i32
        %rem3A_421 = arith.remsi %add3A_391, %select_n3A_420 : i32
        %ne3A_422 = arith.constant 0 : i32
        %ne3A_423 = arith.cmpi ne, %rem3A_421, %ne3A_422 : i32
        %lt3A_424 = arith.constant 0 : i32
        %lt3A_425 = arith.cmpi slt, %rem3A_421, %lt3A_424 : i32
        %lt3A_426 = arith.constant 0 : i32
        %lt3A_427 = arith.cmpi slt, %select_n3A_420, %lt3A_426 : i32
        %ne3A_428 = arith.xori %lt3A_425, %lt3A_427 : i1
        %and3A_429 = arith.andi %ne3A_428, %ne3A_423 : i1
        %add3A_430 = arith.addi %rem3A_421, %select_n3A_420 : i32
        %select_n3A_431 = arith.select %and3A_429, %add3A_430, %rem3A_421 : i32
        %eq3A_432 = arith.constant 1 : i32
        %eq3A_433 = arith.cmpi eq, %select_n3A_415, %eq3A_432 : i32
        %select_n3A_434 = arith.select %eq3A_433, %squeeze3A_8, %squeeze3A : i32
        %eq3A_435 = arith.constant 2 : i32
        %eq3A_436 = arith.cmpi eq, %select_n3A_415, %eq3A_435 : i32
        %select_n3A_437 = arith.select %eq3A_436, %squeeze3A_10, %select_n3A_434 : i32
        %eq3A_438 = arith.constant 3 : i32
        %eq3A_439 = arith.cmpi eq, %select_n3A_415, %eq3A_438 : i32
        %select_n3A_440 = arith.select %eq3A_439, %squeeze3A_12, %select_n3A_437 : i32
        %eq3A_441 = arith.constant 4 : i32
        %eq3A_442 = arith.cmpi eq, %select_n3A_415, %eq3A_441 : i32
        %select_n3A_443 = arith.select %eq3A_442, %squeeze3A_14, %select_n3A_440 : i32
        %eq3A_444 = arith.constant 5 : i32
        %eq3A_445 = arith.cmpi eq, %select_n3A_415, %eq3A_444 : i32
        %select_n3A_446 = arith.select %eq3A_445, %squeeze3A_16, %select_n3A_443 : i32
        %eq3A_447 = arith.constant 6 : i32
        %eq3A_448 = arith.cmpi eq, %select_n3A_415, %eq3A_447 : i32
        %select_n3A_449 = arith.select %eq3A_448, %squeeze3A_18, %select_n3A_446 : i32
        %eq3A_450 = arith.constant 7 : i32
        %eq3A_451 = arith.cmpi eq, %select_n3A_415, %eq3A_450 : i32
        %select_n3A_452 = arith.select %eq3A_451, %squeeze3A_20, %select_n3A_449 : i32
        %mul3A_453 = arith.constant 672 : i32
        %mul3A_454 = arith.muli %select_n3A_415, %mul3A_453 : i32
        %add3A_455 = arith.addi %mul3A_4, %mul3A_454 : i32
        %mul3A_456 = arith.constant 56 : i32
        %mul3A_457 = arith.muli %select_n3A_431, %mul3A_456 : i32
        %add3A_458 = arith.addi %add3A_455, %mul3A_457 : i32
        %mul3A_459 = arith.constant 672 : i32
        %mul3A_460 = arith.muli %select_n3A_452, %mul3A_459 : i32
        %mul3A_461 = arith.constant 56 : i32
        %mul3A_462 = arith.muli %select_n3A_431, %mul3A_461 : i32
        %add3A_463 = arith.addi %mul3A_460, %mul3A_462 : i32
        %dma_start3A_464 = arith.constant 0 : i32
        %dma_start3A_465 = tpu.memref_slice %arg2[%add3A_458, %dma_start3A_464] : memref<172032x224xf32, #tpu.memory_space<hbm>> -> memref<56x224xf32, #tpu.memory_space<hbm>>
        %dma_start3A_466 = arith.constant 0 : i32
        %dma_start3A_467 = tpu.memref_slice %arg2[%add3A_458, %dma_start3A_466] : memref<172032x224xf32, #tpu.memory_space<hbm>> -> memref<56x224xf32, #tpu.memory_space<hbm>>
        tpu.enqueue_dma source(%dma_start3A_467 : memref<56x224xf32, #tpu.memory_space<hbm>>) target(%arg8 : memref<56x224xf32, #tpu.memory_space<vmem>>) target_semaphore(%arg16 : memref<!tpu.dma_semaphore, #tpu.memory_space<semaphore_mem>>)
        %dma_start3A_468 = arith.constant 0 : i32
        %dma_start3A_469 = tpu.memref_slice %arg2[%add3A_463, %dma_start3A_468] : memref<172032x224xf32, #tpu.memory_space<hbm>> -> memref<56x224xf32, #tpu.memory_space<hbm>>
        %dma_start3A_470 = arith.constant 0 : i32
        %dma_start3A_471 = tpu.memref_slice %arg2[%add3A_463, %dma_start3A_470] : memref<172032x224xf32, #tpu.memory_space<hbm>> -> memref<56x224xf32, #tpu.memory_space<hbm>>
        tpu.enqueue_dma source(%dma_start3A_471 : memref<56x224xf32, #tpu.memory_space<hbm>>) target(%arg9 : memref<56x224xf32, #tpu.memory_space<vmem>>) target_semaphore(%arg17 : memref<!tpu.dma_semaphore, #tpu.memory_space<semaphore_mem>>)
      } else {
      }
      %add3A_243 = arith.constant 1 : i32
      %add3A_244 = arith.addi %add3A_103, %add3A_243 : i32
      %jit3A_245 = arith.constant 12 : i32
      %div3A_246 = arith.divsi %add3A_244, %jit3A_245 : i32
      %sign3A_247 = arith.constant 0 : i32
      %sign3A_248 = arith.cmpi sgt, %add3A_244, %sign3A_247 : i32
      %sign3A_249 = arith.extui %sign3A_248 : i1 to i32
      %sign3A_250 = arith.constant 0 : i32
      %sign3A_251 = arith.cmpi slt, %add3A_244, %sign3A_250 : i32
      %sign3A_252 = arith.extui %sign3A_251 : i1 to i32
      %sign3A_253 = arith.subi %sign3A_249, %sign3A_252 : i32
      %sign3A_254 = arith.constant 0 : i32
      %sign3A_255 = arith.cmpi sgt, %jit3A_245, %sign3A_254 : i32
      %sign3A_256 = arith.extui %sign3A_255 : i1 to i32
      %sign3A_257 = arith.constant 0 : i32
      %sign3A_258 = arith.cmpi slt, %jit3A_245, %sign3A_257 : i32
      %sign3A_259 = arith.extui %sign3A_258 : i1 to i32
      %sign3A_260 = arith.subi %sign3A_256, %sign3A_259 : i32
      %ne3A_261 = arith.cmpi ne, %sign3A_253, %sign3A_260 : i32
      %rem3A_262 = arith.remsi %add3A_244, %jit3A_245 : i32
      %ne3A_263 = arith.constant 0 : i32
      %ne3A_264 = arith.cmpi ne, %rem3A_262, %ne3A_263 : i32
      %and3A_265 = arith.andi %ne3A_261, %ne3A_264 : i1
      %sub3A_266 = arith.constant 1 : i32
      %sub3A_267 = arith.subi %div3A_246, %sub3A_266 : i32
      %select_n3A_268 = arith.select %and3A_265, %sub3A_267, %div3A_246 : i32
      %jit3A_269 = arith.constant 12 : i32
      %eq3A_270 = arith.constant 0 : i32
      %eq3A_271 = arith.cmpi eq, %jit3A_269, %eq3A_270 : i32
      %jit3A_272 = arith.constant 1 : i32
      %select_n3A_273 = arith.select %eq3A_271, %jit3A_272, %jit3A_269 : i32
      %rem3A_274 = arith.remsi %add3A_244, %select_n3A_273 : i32
      %ne3A_275 = arith.constant 0 : i32
      %ne3A_276 = arith.cmpi ne, %rem3A_274, %ne3A_275 : i32
      %lt3A_277 = arith.constant 0 : i32
      %lt3A_278 = arith.cmpi slt, %rem3A_274, %lt3A_277 : i32
      %lt3A_279 = arith.constant 0 : i32
      %lt3A_280 = arith.cmpi slt, %select_n3A_273, %lt3A_279 : i32
      %ne3A_281 = arith.xori %lt3A_278, %lt3A_280 : i1
      %and3A_282 = arith.andi %ne3A_281, %ne3A_276 : i1
      %add3A_283 = arith.addi %rem3A_274, %select_n3A_273 : i32
      %select_n3A_284 = arith.select %and3A_282, %add3A_283, %rem3A_274 : i32
      %eq3A_285 = arith.constant 1 : i32
      %eq3A_286 = arith.cmpi eq, %select_n3A_268, %eq3A_285 : i32
      %select_n3A_287 = arith.select %eq3A_286, %squeeze3A_8, %squeeze3A : i32
      %eq3A_288 = arith.constant 2 : i32
      %eq3A_289 = arith.cmpi eq, %select_n3A_268, %eq3A_288 : i32
      %select_n3A_290 = arith.select %eq3A_289, %squeeze3A_10, %select_n3A_287 : i32
      %eq3A_291 = arith.constant 3 : i32
      %eq3A_292 = arith.cmpi eq, %select_n3A_268, %eq3A_291 : i32
      %select_n3A_293 = arith.select %eq3A_292, %squeeze3A_12, %select_n3A_290 : i32
      %eq3A_294 = arith.constant 4 : i32
      %eq3A_295 = arith.cmpi eq, %select_n3A_268, %eq3A_294 : i32
      %select_n3A_296 = arith.select %eq3A_295, %squeeze3A_14, %select_n3A_293 : i32
      %eq3A_297 = arith.constant 5 : i32
      %eq3A_298 = arith.cmpi eq, %select_n3A_268, %eq3A_297 : i32
      %select_n3A_299 = arith.select %eq3A_298, %squeeze3A_16, %select_n3A_296 : i32
      %eq3A_300 = arith.constant 6 : i32
      %eq3A_301 = arith.cmpi eq, %select_n3A_268, %eq3A_300 : i32
      %select_n3A_302 = arith.select %eq3A_301, %squeeze3A_18, %select_n3A_299 : i32
      %eq3A_303 = arith.constant 7 : i32
      %eq3A_304 = arith.cmpi eq, %select_n3A_268, %eq3A_303 : i32
      %select_n3A_305 = arith.select %eq3A_304, %squeeze3A_20, %select_n3A_302 : i32
      %mul3A_306 = arith.constant 672 : i32
      %mul3A_307 = arith.muli %select_n3A_268, %mul3A_306 : i32
      %add3A_308 = arith.addi %mul3A_4, %mul3A_307 : i32
      %mul3A_309 = arith.constant 56 : i32
      %mul3A_310 = arith.muli %select_n3A_284, %mul3A_309 : i32
      %add3A_311 = arith.addi %add3A_308, %mul3A_310 : i32
      %mul3A_312 = arith.constant 672 : i32
      %mul3A_313 = arith.muli %select_n3A_305, %mul3A_312 : i32
      %mul3A_314 = arith.constant 56 : i32
      %mul3A_315 = arith.muli %select_n3A_284, %mul3A_314 : i32
      %add3A_316 = arith.addi %mul3A_313, %mul3A_315 : i32
      %dma_wait3A_317 = arith.constant 0 : i32
      %dma_wait3A_318 = tpu.memref_slice %arg2[%add3A_311, %dma_wait3A_317] : memref<172032x224xf32, #tpu.memory_space<hbm>> -> memref<56x224xf32, #tpu.memory_space<hbm>>
      %dma_wait3A_319 = arith.constant 0 : i32
      %dma_wait3A_320 = tpu.memref_slice %arg2[%add3A_311, %dma_wait3A_319] : memref<172032x224xf32, #tpu.memory_space<hbm>> -> memref<56x224xf32, #tpu.memory_space<hbm>>
      tpu.wait_dma2 semaphore(%arg19 : memref<!tpu.dma_semaphore, #tpu.memory_space<semaphore_mem>>) src(%dma_wait3A_320 : memref<56x224xf32, #tpu.memory_space<hbm>>) dst(%arg11 : memref<56x224xf32, #tpu.memory_space<vmem>>)
      %dma_wait3A_321 = arith.constant 0 : i32
      %dma_wait3A_322 = tpu.memref_slice %arg2[%add3A_316, %dma_wait3A_321] : memref<172032x224xf32, #tpu.memory_space<hbm>> -> memref<56x224xf32, #tpu.memory_space<hbm>>
      %dma_wait3A_323 = arith.constant 0 : i32
      %dma_wait3A_324 = tpu.memref_slice %arg2[%add3A_316, %dma_wait3A_323] : memref<172032x224xf32, #tpu.memory_space<hbm>> -> memref<56x224xf32, #tpu.memory_space<hbm>>
      tpu.wait_dma2 semaphore(%arg20 : memref<!tpu.dma_semaphore, #tpu.memory_space<semaphore_mem>>) src(%dma_wait3A_324 : memref<56x224xf32, #tpu.memory_space<hbm>>) dst(%arg12 : memref<56x224xf32, #tpu.memory_space<vmem>>)
      %ge3A_325 = arith.constant 2 : i32
      %ge3A_326 = arith.cmpi sge, %add3A_103, %ge3A_325 : i32
      %convert_element_type3A_327 = arith.extui %ge3A_326 : i1 to i32
      %cond3A_328 = arith.constant 0 : i32
      %cond3A_329 = arith.cmpi ne, %convert_element_type3A_327, %cond3A_328 : i32
      scf.if %cond3A_329 {
        %sub3A_390 = arith.constant 2 : i32
        %sub3A_391 = arith.subi %add3A_244, %sub3A_390 : i32
        %jit3A_392 = arith.constant 12 : i32
        %div3A_393 = arith.divsi %sub3A_391, %jit3A_392 : i32
        %sign3A_394 = arith.constant 0 : i32
        %sign3A_395 = arith.cmpi sgt, %sub3A_391, %sign3A_394 : i32
        %sign3A_396 = arith.extui %sign3A_395 : i1 to i32
        %sign3A_397 = arith.constant 0 : i32
        %sign3A_398 = arith.cmpi slt, %sub3A_391, %sign3A_397 : i32
        %sign3A_399 = arith.extui %sign3A_398 : i1 to i32
        %sign3A_400 = arith.subi %sign3A_396, %sign3A_399 : i32
        %sign3A_401 = arith.constant 0 : i32
        %sign3A_402 = arith.cmpi sgt, %jit3A_392, %sign3A_401 : i32
        %sign3A_403 = arith.extui %sign3A_402 : i1 to i32
        %sign3A_404 = arith.constant 0 : i32
        %sign3A_405 = arith.cmpi slt, %jit3A_392, %sign3A_404 : i32
        %sign3A_406 = arith.extui %sign3A_405 : i1 to i32
        %sign3A_407 = arith.subi %sign3A_403, %sign3A_406 : i32
        %ne3A_408 = arith.cmpi ne, %sign3A_400, %sign3A_407 : i32
        %rem3A_409 = arith.remsi %sub3A_391, %jit3A_392 : i32
        %ne3A_410 = arith.constant 0 : i32
        %ne3A_411 = arith.cmpi ne, %rem3A_409, %ne3A_410 : i32
        %and3A_412 = arith.andi %ne3A_408, %ne3A_411 : i1
        %sub3A_413 = arith.constant 1 : i32
        %sub3A_414 = arith.subi %div3A_393, %sub3A_413 : i32
        %select_n3A_415 = arith.select %and3A_412, %sub3A_414, %div3A_393 : i32
        %mul3A_416 = arith.constant 672 : i32
        %mul3A_417 = arith.muli %select_n3A_415, %mul3A_416 : i32
        %add3A_418 = arith.addi %mul3A_4, %mul3A_417 : i32
        %jit3A_419 = arith.constant 12 : i32
        %eq3A_420 = arith.constant 0 : i32
        %eq3A_421 = arith.cmpi eq, %jit3A_419, %eq3A_420 : i32
        %jit3A_422 = arith.constant 1 : i32
        %select_n3A_423 = arith.select %eq3A_421, %jit3A_422, %jit3A_419 : i32
        %rem3A_424 = arith.remsi %sub3A_391, %select_n3A_423 : i32
        %ne3A_425 = arith.constant 0 : i32
        %ne3A_426 = arith.cmpi ne, %rem3A_424, %ne3A_425 : i32
        %lt3A_427 = arith.constant 0 : i32
        %lt3A_428 = arith.cmpi slt, %rem3A_424, %lt3A_427 : i32
        %lt3A_429 = arith.constant 0 : i32
        %lt3A_430 = arith.cmpi slt, %select_n3A_423, %lt3A_429 : i32
        %ne3A_431 = arith.xori %lt3A_428, %lt3A_430 : i1
        %and3A_432 = arith.andi %ne3A_431, %ne3A_426 : i1
        %add3A_433 = arith.addi %rem3A_424, %select_n3A_423 : i32
        %select_n3A_434 = arith.select %and3A_432, %add3A_433, %rem3A_424 : i32
        %mul3A_435 = arith.constant 56 : i32
        %mul3A_436 = arith.muli %select_n3A_434, %mul3A_435 : i32
        %add3A_437 = arith.addi %add3A_418, %mul3A_436 : i32
        %dma_wait3A_438 = arith.constant 0 : i32
        %dma_wait3A_439 = tpu.memref_slice %arg5[%add3A_437, %dma_wait3A_438] : memref<172032x224xf32, #tpu.memory_space<hbm>> -> memref<56x224xf32, #tpu.memory_space<hbm>>
        %dma_wait3A_440 = arith.constant 0 : i32
        %dma_wait3A_441 = tpu.memref_slice %arg5[%add3A_437, %dma_wait3A_440] : memref<172032x224xf32, #tpu.memory_space<hbm>> -> memref<56x224xf32, #tpu.memory_space<hbm>>
        tpu.wait_dma2 semaphore(%arg21 : memref<!tpu.dma_semaphore, #tpu.memory_space<semaphore_mem>>) src(%arg13 : memref<56x224xf32, #tpu.memory_space<vmem>>) dst(%dma_wait3A_441 : memref<56x224xf32, #tpu.memory_space<hbm>>)
      } else {
      }
      %scan3A_330 = arith.constant 0 : i32
      %scan3A_331 = arith.constant 56 : i32
      %scan3A_332 = arith.addi %scan3A_330, %scan3A_331 : i32
      %scan3A_333 = arith.constant 1 : i32
      scf.for %scan3A_390 = %scan3A_330 to %scan3A_332 step %scan3A_333  : i32 {
        %mul3A_391 = arith.constant 1 : i32
        %mul3A_392 = arith.muli %scan3A_390, %mul3A_391 : i32
        %add3A_393 = arith.constant 0 : i32
        %add3A_394 = arith.addi %add3A_393, %mul3A_392 : i32
        %get3A_395 = arith.index_cast %add3A_394 : i32 to index
        %get3A_396 = arith.constant 0 : index
        %get3A_397 = tpu.vector_load %arg11[%get3A_395, %get3A_396] {strides = array<i32>} : memref<56x224xf32, #tpu.memory_space<vmem>>, vector<1x16xf32>,
        %get3A_398 = vector.shape_cast %get3A_397 : vector<1x16xf32> to vector<16xf32>
        %get3A_399 = arith.index_cast %add3A_394 : i32 to index
        %get3A_400 = arith.constant 0 : index
        %get3A_401 = tpu.vector_load %arg12[%get3A_399, %get3A_400] {strides = array<i32>} : memref<56x224xf32, #tpu.memory_space<vmem>>, vector<1x16xf32>,
        %get3A_402 = vector.shape_cast %get3A_401 : vector<1x16xf32> to vector<16xf32>
        %mul3A_403 = arith.constant 0.370615482 : f32
        %mul3A_404 = vector.broadcast %mul3A_403 : f32 to vector<16xf32>
        %mul3A_405 = arith.mulf %get3A_398, %mul3A_404 : vector<16xf32>
        %mul3A_406 = arith.constant 0.629384517 : f32
        %mul3A_407 = vector.broadcast %mul3A_406 : f32 to vector<16xf32>
        %mul3A_408 = arith.mulf %get3A_402, %mul3A_407 : vector<16xf32>
        %add3A_409 = arith.addf %mul3A_405, %mul3A_408 : vector<16xf32>
        %swap3A = arith.index_cast %add3A_394 : i32 to index
        %swap3A_410 = arith.constant 0 : index
        %swap3A_411 = tpu.vector_load %arg13[%swap3A, %swap3A_410] {strides = array<i32>} : memref<56x224xf32, #tpu.memory_space<vmem>>, vector<1x16xf32>,
        %swap3A_412 = vector.shape_cast %swap3A_411 : vector<1x16xf32> to vector<16xf32>
        %swap3A_413 = vector.shape_cast %add3A_409 : vector<16xf32> to vector<1x16xf32>
        tpu.vector_store %arg13[%swap3A, %swap3A_410], %swap3A_413 {strides = array<i32>} : memref<56x224xf32, #tpu.memory_space<vmem>>, vector<1x16xf32>,
        %get3A_414 = arith.index_cast %add3A_394 : i32 to index
        %get3A_415 = arith.constant 16 : index
        %get3A_416 = tpu.vector_load %arg11[%get3A_414, %get3A_415] {strides = array<i32>} : memref<56x224xf32, #tpu.memory_space<vmem>>, vector<1x16xf32>,
        %get3A_417 = vector.shape_cast %get3A_416 : vector<1x16xf32> to vector<16xf32>
        %get3A_418 = arith.index_cast %add3A_394 : i32 to index
        %get3A_419 = arith.constant 16 : index
        %get3A_420 = tpu.vector_load %arg12[%get3A_418, %get3A_419] {strides = array<i32>} : memref<56x224xf32, #tpu.memory_space<vmem>>, vector<1x16xf32>,
        %get3A_421 = vector.shape_cast %get3A_420 : vector<1x16xf32> to vector<16xf32>
        %mul3A_422 = arith.constant 0.370615482 : f32
        %mul3A_423 = vector.broadcast %mul3A_422 : f32 to vector<16xf32>
        %mul3A_424 = arith.mulf %get3A_417, %mul3A_423 : vector<16xf32>
        %mul3A_425 = arith.constant 0.629384517 : f32
        %mul3A_426 = vector.broadcast %mul3A_425 : f32 to vector<16xf32>
        %mul3A_427 = arith.mulf %get3A_421, %mul3A_426 : vector<16xf32>
        %add3A_428 = arith.addf %mul3A_424, %mul3A_427 : vector<16xf32>
        %swap3A_429 = arith.index_cast %add3A_394 : i32 to index
        %swap3A_430 = arith.constant 16 : index
        %swap3A_431 = tpu.vector_load %arg13[%swap3A_429, %swap3A_430] {strides = array<i32>} : memref<56x224xf32, #tpu.memory_space<vmem>>, vector<1x16xf32>,
        %swap3A_432 = vector.shape_cast %swap3A_431 : vector<1x16xf32> to vector<16xf32>
        %swap3A_433 = vector.shape_cast %add3A_428 : vector<16xf32> to vector<1x16xf32>
        tpu.vector_store %arg13[%swap3A_429, %swap3A_430], %swap3A_433 {strides = array<i32>} : memref<56x224xf32, #tpu.memory_space<vmem>>, vector<1x16xf32>,
        %get3A_434 = arith.index_cast %add3A_394 : i32 to index
        %get3A_435 = arith.constant 32 : index
        %get3A_436 = tpu.vector_load %arg11[%get3A_434, %get3A_435] {strides = array<i32>} : memref<56x224xf32, #tpu.memory_space<vmem>>, vector<1x16xf32>,
        %get3A_437 = vector.shape_cast %get3A_436 : vector<1x16xf32> to vector<16xf32>
        %get3A_438 = arith.index_cast %add3A_394 : i32 to index
        %get3A_439 = arith.constant 32 : index
        %get3A_440 = tpu.vector_load %arg12[%get3A_438, %get3A_439] {strides = array<i32>} : memref<56x224xf32, #tpu.memory_space<vmem>>, vector<1x16xf32>,
        %get3A_441 = vector.shape_cast %get3A_440 : vector<1x16xf32> to vector<16xf32>
        %mul3A_442 = arith.constant 0.370615482 : f32
        %mul3A_443 = vector.broadcast %mul3A_442 : f32 to vector<16xf32>
        %mul3A_444 = arith.mulf %get3A_437, %mul3A_443 : vector<16xf32>
        %mul3A_445 = arith.constant 0.629384517 : f32
        %mul3A_446 = vector.broadcast %mul3A_445 : f32 to vector<16xf32>
        %mul3A_447 = arith.mulf %get3A_441, %mul3A_446 : vector<16xf32>
        %add3A_448 = arith.addf %mul3A_444, %mul3A_447 : vector<16xf32>
        %swap3A_449 = arith.index_cast %add3A_394 : i32 to index
        %swap3A_450 = arith.constant 32 : index
        %swap3A_451 = tpu.vector_load %arg13[%swap3A_449, %swap3A_450] {strides = array<i32>} : memref<56x224xf32, #tpu.memory_space<vmem>>, vector<1x16xf32>,
        %swap3A_452 = vector.shape_cast %swap3A_451 : vector<1x16xf32> to vector<16xf32>
        %swap3A_453 = vector.shape_cast %add3A_448 : vector<16xf32> to vector<1x16xf32>
        tpu.vector_store %arg13[%swap3A_449, %swap3A_450], %swap3A_453 {strides = array<i32>} : memref<56x224xf32, #tpu.memory_space<vmem>>, vector<1x16xf32>,
        %get3A_454 = arith.index_cast %add3A_394 : i32 to index
        %get3A_455 = arith.constant 48 : index
        %get3A_456 = tpu.vector_load %arg11[%get3A_454, %get3A_455] {strides = array<i32>} : memref<56x224xf32, #tpu.memory_space<vmem>>, vector<1x16xf32>,
        %get3A_457 = vector.shape_cast %get3A_456 : vector<1x16xf32> to vector<16xf32>
        %get3A_458 = arith.index_cast %add3A_394 : i32 to index
        %get3A_459 = arith.constant 48 : index
        %get3A_460 = tpu.vector_load %arg12[%get3A_458, %get3A_459] {strides = array<i32>} : memref<56x224xf32, #tpu.memory_space<vmem>>, vector<1x16xf32>,
        %get3A_461 = vector.shape_cast %get3A_460 : vector<1x16xf32> to vector<16xf32>
        %mul3A_462 = arith.constant 0.370615482 : f32
        %mul3A_463 = vector.broadcast %mul3A_462 : f32 to vector<16xf32>
        %mul3A_464 = arith.mulf %get3A_457, %mul3A_463 : vector<16xf32>
        %mul3A_465 = arith.constant 0.629384517 : f32
        %mul3A_466 = vector.broadcast %mul3A_465 : f32 to vector<16xf32>
        %mul3A_467 = arith.mulf %get3A_461, %mul3A_466 : vector<16xf32>
        %add3A_468 = arith.addf %mul3A_464, %mul3A_467 : vector<16xf32>
        %swap3A_469 = arith.index_cast %add3A_394 : i32 to index
        %swap3A_470 = arith.constant 48 : index
        %swap3A_471 = tpu.vector_load %arg13[%swap3A_469, %swap3A_470] {strides = array<i32>} : memref<56x224xf32, #tpu.memory_space<vmem>>, vector<1x16xf32>,
        %swap3A_472 = vector.shape_cast %swap3A_471 : vector<1x16xf32> to vector<16xf32>
        %swap3A_473 = vector.shape_cast %add3A_468 : vector<16xf32> to vector<1x16xf32>
        tpu.vector_store %arg13[%swap3A_469, %swap3A_470], %swap3A_473 {strides = array<i32>} : memref<56x224xf32, #tpu.memory_space<vmem>>, vector<1x16xf32>,
        %get3A_474 = arith.index_cast %add3A_394 : i32 to index
        %get3A_475 = arith.constant 64 : index
        %get3A_476 = tpu.vector_load %arg11[%get3A_474, %get3A_475] {strides = array<i32>} : memref<56x224xf32, #tpu.memory_space<vmem>>, vector<1x16xf32>,
        %get3A_477 = vector.shape_cast %get3A_476 : vector<1x16xf32> to vector<16xf32>
        %get3A_478 = arith.index_cast %add3A_394 : i32 to index
        %get3A_479 = arith.constant 64 : index
        %get3A_480 = tpu.vector_load %arg12[%get3A_478, %get3A_479] {strides = array<i32>} : memref<56x224xf32, #tpu.memory_space<vmem>>, vector<1x16xf32>,
        %get3A_481 = vector.shape_cast %get3A_480 : vector<1x16xf32> to vector<16xf32>
        %mul3A_482 = arith.constant 0.370615482 : f32
        %mul3A_483 = vector.broadcast %mul3A_482 : f32 to vector<16xf32>
        %mul3A_484 = arith.mulf %get3A_477, %mul3A_483 : vector<16xf32>
        %mul3A_485 = arith.constant 0.629384517 : f32
        %mul3A_486 = vector.broadcast %mul3A_485 : f32 to vector<16xf32>
        %mul3A_487 = arith.mulf %get3A_481, %mul3A_486 : vector<16xf32>
        %add3A_488 = arith.addf %mul3A_484, %mul3A_487 : vector<16xf32>
        %swap3A_489 = arith.index_cast %add3A_394 : i32 to index
        %swap3A_490 = arith.constant 64 : index
        %swap3A_491 = tpu.vector_load %arg13[%swap3A_489, %swap3A_490] {strides = array<i32>} : memref<56x224xf32, #tpu.memory_space<vmem>>, vector<1x16xf32>,
        %swap3A_492 = vector.shape_cast %swap3A_491 : vector<1x16xf32> to vector<16xf32>
        %swap3A_493 = vector.shape_cast %add3A_488 : vector<16xf32> to vector<1x16xf32>
        tpu.vector_store %arg13[%swap3A_489, %swap3A_490], %swap3A_493 {strides = array<i32>} : memref<56x224xf32, #tpu.memory_space<vmem>>, vector<1x16xf32>,
        %get3A_494 = arith.index_cast %add3A_394 : i32 to index
        %get3A_495 = arith.constant 80 : index
        %get3A_496 = tpu.vector_load %arg11[%get3A_494, %get3A_495] {strides = array<i32>} : memref<56x224xf32, #tpu.memory_space<vmem>>, vector<1x16xf32>,
        %get3A_497 = vector.shape_cast %get3A_496 : vector<1x16xf32> to vector<16xf32>
        %get3A_498 = arith.index_cast %add3A_394 : i32 to index
        %get3A_499 = arith.constant 80 : index
        %get3A_500 = tpu.vector_load %arg12[%get3A_498, %get3A_499] {strides = array<i32>} : memref<56x224xf32, #tpu.memory_space<vmem>>, vector<1x16xf32>,
        %get3A_501 = vector.shape_cast %get3A_500 : vector<1x16xf32> to vector<16xf32>
        %mul3A_502 = arith.constant 0.370615482 : f32
        %mul3A_503 = vector.broadcast %mul3A_502 : f32 to vector<16xf32>
        %mul3A_504 = arith.mulf %get3A_497, %mul3A_503 : vector<16xf32>
        %mul3A_505 = arith.constant 0.629384517 : f32
        %mul3A_506 = vector.broadcast %mul3A_505 : f32 to vector<16xf32>
        %mul3A_507 = arith.mulf %get3A_501, %mul3A_506 : vector<16xf32>
        %add3A_508 = arith.addf %mul3A_504, %mul3A_507 : vector<16xf32>
        %swap3A_509 = arith.index_cast %add3A_394 : i32 to index
        %swap3A_510 = arith.constant 80 : index
        %swap3A_511 = tpu.vector_load %arg13[%swap3A_509, %swap3A_510] {strides = array<i32>} : memref<56x224xf32, #tpu.memory_space<vmem>>, vector<1x16xf32>,
        %swap3A_512 = vector.shape_cast %swap3A_511 : vector<1x16xf32> to vector<16xf32>
        %swap3A_513 = vector.shape_cast %add3A_508 : vector<16xf32> to vector<1x16xf32>
        tpu.vector_store %arg13[%swap3A_509, %swap3A_510], %swap3A_513 {strides = array<i32>} : memref<56x224xf32, #tpu.memory_space<vmem>>, vector<1x16xf32>,
        %get3A_514 = arith.index_cast %add3A_394 : i32 to index
        %get3A_515 = arith.constant 96 : index
        %get3A_516 = tpu.vector_load %arg11[%get3A_514, %get3A_515] {strides = array<i32>} : memref<56x224xf32, #tpu.memory_space<vmem>>, vector<1x16xf32>,
        %get3A_517 = vector.shape_cast %get3A_516 : vector<1x16xf32> to vector<16xf32>
        %get3A_518 = arith.index_cast %add3A_394 : i32 to index
        %get3A_519 = arith.constant 96 : index
        %get3A_520 = tpu.vector_load %arg12[%get3A_518, %get3A_519] {strides = array<i32>} : memref<56x224xf32, #tpu.memory_space<vmem>>, vector<1x16xf32>,
        %get3A_521 = vector.shape_cast %get3A_520 : vector<1x16xf32> to vector<16xf32>
        %mul3A_522 = arith.constant 0.370615482 : f32
        %mul3A_523 = vector.broadcast %mul3A_522 : f32 to vector<16xf32>
        %mul3A_524 = arith.mulf %get3A_517, %mul3A_523 : vector<16xf32>
        %mul3A_525 = arith.constant 0.629384517 : f32
        %mul3A_526 = vector.broadcast %mul3A_525 : f32 to vector<16xf32>
        %mul3A_527 = arith.mulf %get3A_521, %mul3A_526 : vector<16xf32>
        %add3A_528 = arith.addf %mul3A_524, %mul3A_527 : vector<16xf32>
        %swap3A_529 = arith.index_cast %add3A_394 : i32 to index
        %swap3A_530 = arith.constant 96 : index
        %swap3A_531 = tpu.vector_load %arg13[%swap3A_529, %swap3A_530] {strides = array<i32>} : memref<56x224xf32, #tpu.memory_space<vmem>>, vector<1x16xf32>,
        %swap3A_532 = vector.shape_cast %swap3A_531 : vector<1x16xf32> to vector<16xf32>
        %swap3A_533 = vector.shape_cast %add3A_528 : vector<16xf32> to vector<1x16xf32>
        tpu.vector_store %arg13[%swap3A_529, %swap3A_530], %swap3A_533 {strides = array<i32>} : memref<56x224xf32, #tpu.memory_space<vmem>>, vector<1x16xf32>,
        %get3A_534 = arith.index_cast %add3A_394 : i32 to index
        %get3A_535 = arith.constant 112 : index
        %get3A_536 = tpu.vector_load %arg11[%get3A_534, %get3A_535] {strides = array<i32>} : memref<56x224xf32, #tpu.memory_space<vmem>>, vector<1x16xf32>,
        %get3A_537 = vector.shape_cast %get3A_536 : vector<1x16xf32> to vector<16xf32>
        %get3A_538 = arith.index_cast %add3A_394 : i32 to index
        %get3A_539 = arith.constant 112 : index
        %get3A_540 = tpu.vector_load %arg12[%get3A_538, %get3A_539] {strides = array<i32>} : memref<56x224xf32, #tpu.memory_space<vmem>>, vector<1x16xf32>,
        %get3A_541 = vector.shape_cast %get3A_540 : vector<1x16xf32> to vector<16xf32>
        %mul3A_542 = arith.constant 0.370615482 : f32
        %mul3A_543 = vector.broadcast %mul3A_542 : f32 to vector<16xf32>
        %mul3A_544 = arith.mulf %get3A_537, %mul3A_543 : vector<16xf32>
        %mul3A_545 = arith.constant 0.629384517 : f32
        %mul3A_546 = vector.broadcast %mul3A_545 : f32 to vector<16xf32>
        %mul3A_547 = arith.mulf %get3A_541, %mul3A_546 : vector<16xf32>
        %add3A_548 = arith.addf %mul3A_544, %mul3A_547 : vector<16xf32>
        %swap3A_549 = arith.index_cast %add3A_394 : i32 to index
        %swap3A_550 = arith.constant 112 : index
        %swap3A_551 = tpu.vector_load %arg13[%swap3A_549, %swap3A_550] {strides = array<i32>} : memref<56x224xf32, #tpu.memory_space<vmem>>, vector<1x16xf32>,
        %swap3A_552 = vector.shape_cast %swap3A_551 : vector<1x16xf32> to vector<16xf32>
        %swap3A_553 = vector.shape_cast %add3A_548 : vector<16xf32> to vector<1x16xf32>
        tpu.vector_store %arg13[%swap3A_549, %swap3A_550], %swap3A_553 {strides = array<i32>} : memref<56x224xf32, #tpu.memory_space<vmem>>, vector<1x16xf32>,
        %get3A_554 = arith.index_cast %add3A_394 : i32 to index
        %get3A_555 = arith.constant 128 : index
        %get3A_556 = tpu.vector_load %arg11[%get3A_554, %get3A_555] {strides = array<i32>} : memref<56x224xf32, #tpu.memory_space<vmem>>, vector<1x16xf32>,
        %get3A_557 = vector.shape_cast %get3A_556 : vector<1x16xf32> to vector<16xf32>
        %get3A_558 = arith.index_cast %add3A_394 : i32 to index
        %get3A_559 = arith.constant 128 : index
        %get3A_560 = tpu.vector_load %arg12[%get3A_558, %get3A_559] {strides = array<i32>} : memref<56x224xf32, #tpu.memory_space<vmem>>, vector<1x16xf32>,
        %get3A_561 = vector.shape_cast %get3A_560 : vector<1x16xf32> to vector<16xf32>
        %mul3A_562 = arith.constant 0.370615482 : f32
        %mul3A_563 = vector.broadcast %mul3A_562 : f32 to vector<16xf32>
        %mul3A_564 = arith.mulf %get3A_557, %mul3A_563 : vector<16xf32>
        %mul3A_565 = arith.constant 0.629384517 : f32
        %mul3A_566 = vector.broadcast %mul3A_565 : f32 to vector<16xf32>
        %mul3A_567 = arith.mulf %get3A_561, %mul3A_566 : vector<16xf32>
        %add3A_568 = arith.addf %mul3A_564, %mul3A_567 : vector<16xf32>
        %swap3A_569 = arith.index_cast %add3A_394 : i32 to index
        %swap3A_570 = arith.constant 128 : index
        %swap3A_571 = tpu.vector_load %arg13[%swap3A_569, %swap3A_570] {strides = array<i32>} : memref<56x224xf32, #tpu.memory_space<vmem>>, vector<1x16xf32>,
        %swap3A_572 = vector.shape_cast %swap3A_571 : vector<1x16xf32> to vector<16xf32>
        %swap3A_573 = vector.shape_cast %add3A_568 : vector<16xf32> to vector<1x16xf32>
        tpu.vector_store %arg13[%swap3A_569, %swap3A_570], %swap3A_573 {strides = array<i32>} : memref<56x224xf32, #tpu.memory_space<vmem>>, vector<1x16xf32>,
        %get3A_574 = arith.index_cast %add3A_394 : i32 to index
        %get3A_575 = arith.constant 144 : index
        %get3A_576 = tpu.vector_load %arg11[%get3A_574, %get3A_575] {strides = array<i32>} : memref<56x224xf32, #tpu.memory_space<vmem>>, vector<1x16xf32>,
        %get3A_577 = vector.shape_cast %get3A_576 : vector<1x16xf32> to vector<16xf32>
        %get3A_578 = arith.index_cast %add3A_394 : i32 to index
        %get3A_579 = arith.constant 144 : index
        %get3A_580 = tpu.vector_load %arg12[%get3A_578, %get3A_579] {strides = array<i32>} : memref<56x224xf32, #tpu.memory_space<vmem>>, vector<1x16xf32>,
        %get3A_581 = vector.shape_cast %get3A_580 : vector<1x16xf32> to vector<16xf32>
        %mul3A_582 = arith.constant 0.370615482 : f32
        %mul3A_583 = vector.broadcast %mul3A_582 : f32 to vector<16xf32>
        %mul3A_584 = arith.mulf %get3A_577, %mul3A_583 : vector<16xf32>
        %mul3A_585 = arith.constant 0.629384517 : f32
        %mul3A_586 = vector.broadcast %mul3A_585 : f32 to vector<16xf32>
        %mul3A_587 = arith.mulf %get3A_581, %mul3A_586 : vector<16xf32>
        %add3A_588 = arith.addf %mul3A_584, %mul3A_587 : vector<16xf32>
        %swap3A_589 = arith.index_cast %add3A_394 : i32 to index
        %swap3A_590 = arith.constant 144 : index
        %swap3A_591 = tpu.vector_load %arg13[%swap3A_589, %swap3A_590] {strides = array<i32>} : memref<56x224xf32, #tpu.memory_space<vmem>>, vector<1x16xf32>,
        %swap3A_592 = vector.shape_cast %swap3A_591 : vector<1x16xf32> to vector<16xf32>
        %swap3A_593 = vector.shape_cast %add3A_588 : vector<16xf32> to vector<1x16xf32>
        tpu.vector_store %arg13[%swap3A_589, %swap3A_590], %swap3A_593 {strides = array<i32>} : memref<56x224xf32, #tpu.memory_space<vmem>>, vector<1x16xf32>,
        %get3A_594 = arith.index_cast %add3A_394 : i32 to index
        %get3A_595 = arith.constant 160 : index
        %get3A_596 = tpu.vector_load %arg11[%get3A_594, %get3A_595] {strides = array<i32>} : memref<56x224xf32, #tpu.memory_space<vmem>>, vector<1x16xf32>,
        %get3A_597 = vector.shape_cast %get3A_596 : vector<1x16xf32> to vector<16xf32>
        %get3A_598 = arith.index_cast %add3A_394 : i32 to index
        %get3A_599 = arith.constant 160 : index
        %get3A_600 = tpu.vector_load %arg12[%get3A_598, %get3A_599] {strides = array<i32>} : memref<56x224xf32, #tpu.memory_space<vmem>>, vector<1x16xf32>,
        %get3A_601 = vector.shape_cast %get3A_600 : vector<1x16xf32> to vector<16xf32>
        %mul3A_602 = arith.constant 0.370615482 : f32
        %mul3A_603 = vector.broadcast %mul3A_602 : f32 to vector<16xf32>
        %mul3A_604 = arith.mulf %get3A_597, %mul3A_603 : vector<16xf32>
        %mul3A_605 = arith.constant 0.629384517 : f32
        %mul3A_606 = vector.broadcast %mul3A_605 : f32 to vector<16xf32>
        %mul3A_607 = arith.mulf %get3A_601, %mul3A_606 : vector<16xf32>
        %add3A_608 = arith.addf %mul3A_604, %mul3A_607 : vector<16xf32>
        %swap3A_609 = arith.index_cast %add3A_394 : i32 to index
        %swap3A_610 = arith.constant 160 : index
        %swap3A_611 = tpu.vector_load %arg13[%swap3A_609, %swap3A_610] {strides = array<i32>} : memref<56x224xf32, #tpu.memory_space<vmem>>, vector<1x16xf32>,
        %swap3A_612 = vector.shape_cast %swap3A_611 : vector<1x16xf32> to vector<16xf32>
        %swap3A_613 = vector.shape_cast %add3A_608 : vector<16xf32> to vector<1x16xf32>
        tpu.vector_store %arg13[%swap3A_609, %swap3A_610], %swap3A_613 {strides = array<i32>} : memref<56x224xf32, #tpu.memory_space<vmem>>, vector<1x16xf32>,
        %get3A_614 = arith.index_cast %add3A_394 : i32 to index
        %get3A_615 = arith.constant 176 : index
        %get3A_616 = tpu.vector_load %arg11[%get3A_614, %get3A_615] {strides = array<i32>} : memref<56x224xf32, #tpu.memory_space<vmem>>, vector<1x16xf32>,
        %get3A_617 = vector.shape_cast %get3A_616 : vector<1x16xf32> to vector<16xf32>
        %get3A_618 = arith.index_cast %add3A_394 : i32 to index
        %get3A_619 = arith.constant 176 : index
        %get3A_620 = tpu.vector_load %arg12[%get3A_618, %get3A_619] {strides = array<i32>} : memref<56x224xf32, #tpu.memory_space<vmem>>, vector<1x16xf32>,
        %get3A_621 = vector.shape_cast %get3A_620 : vector<1x16xf32> to vector<16xf32>
        %mul3A_622 = arith.constant 0.370615482 : f32
        %mul3A_623 = vector.broadcast %mul3A_622 : f32 to vector<16xf32>
        %mul3A_624 = arith.mulf %get3A_617, %mul3A_623 : vector<16xf32>
        %mul3A_625 = arith.constant 0.629384517 : f32
        %mul3A_626 = vector.broadcast %mul3A_625 : f32 to vector<16xf32>
        %mul3A_627 = arith.mulf %get3A_621, %mul3A_626 : vector<16xf32>
        %add3A_628 = arith.addf %mul3A_624, %mul3A_627 : vector<16xf32>
        %swap3A_629 = arith.index_cast %add3A_394 : i32 to index
        %swap3A_630 = arith.constant 176 : index
        %swap3A_631 = tpu.vector_load %arg13[%swap3A_629, %swap3A_630] {strides = array<i32>} : memref<56x224xf32, #tpu.memory_space<vmem>>, vector<1x16xf32>,
        %swap3A_632 = vector.shape_cast %swap3A_631 : vector<1x16xf32> to vector<16xf32>
        %swap3A_633 = vector.shape_cast %add3A_628 : vector<16xf32> to vector<1x16xf32>
        tpu.vector_store %arg13[%swap3A_629, %swap3A_630], %swap3A_633 {strides = array<i32>} : memref<56x224xf32, #tpu.memory_space<vmem>>, vector<1x16xf32>,
        %get3A_634 = arith.index_cast %add3A_394 : i32 to index
        %get3A_635 = arith.constant 192 : index
        %get3A_636 = tpu.vector_load %arg11[%get3A_634, %get3A_635] {strides = array<i32>} : memref<56x224xf32, #tpu.memory_space<vmem>>, vector<1x16xf32>,
        %get3A_637 = vector.shape_cast %get3A_636 : vector<1x16xf32> to vector<16xf32>
        %get3A_638 = arith.index_cast %add3A_394 : i32 to index
        %get3A_639 = arith.constant 192 : index
        %get3A_640 = tpu.vector_load %arg12[%get3A_638, %get3A_639] {strides = array<i32>} : memref<56x224xf32, #tpu.memory_space<vmem>>, vector<1x16xf32>,
        %get3A_641 = vector.shape_cast %get3A_640 : vector<1x16xf32> to vector<16xf32>
        %mul3A_642 = arith.constant 0.370615482 : f32
        %mul3A_643 = vector.broadcast %mul3A_642 : f32 to vector<16xf32>
        %mul3A_644 = arith.mulf %get3A_637, %mul3A_643 : vector<16xf32>
        %mul3A_645 = arith.constant 0.629384517 : f32
        %mul3A_646 = vector.broadcast %mul3A_645 : f32 to vector<16xf32>
        %mul3A_647 = arith.mulf %get3A_641, %mul3A_646 : vector<16xf32>
        %add3A_648 = arith.addf %mul3A_644, %mul3A_647 : vector<16xf32>
        %swap3A_649 = arith.index_cast %add3A_394 : i32 to index
        %swap3A_650 = arith.constant 192 : index
        %swap3A_651 = tpu.vector_load %arg13[%swap3A_649, %swap3A_650] {strides = array<i32>} : memref<56x224xf32, #tpu.memory_space<vmem>>, vector<1x16xf32>,
        %swap3A_652 = vector.shape_cast %swap3A_651 : vector<1x16xf32> to vector<16xf32>
        %swap3A_653 = vector.shape_cast %add3A_648 : vector<16xf32> to vector<1x16xf32>
        tpu.vector_store %arg13[%swap3A_649, %swap3A_650], %swap3A_653 {strides = array<i32>} : memref<56x224xf32, #tpu.memory_space<vmem>>, vector<1x16xf32>,
        %get3A_654 = arith.index_cast %add3A_394 : i32 to index
        %get3A_655 = arith.constant 208 : index
        %get3A_656 = tpu.vector_load %arg11[%get3A_654, %get3A_655] {strides = array<i32>} : memref<56x224xf32, #tpu.memory_space<vmem>>, vector<1x16xf32>,
        %get3A_657 = vector.shape_cast %get3A_656 : vector<1x16xf32> to vector<16xf32>
        %get3A_658 = arith.index_cast %add3A_394 : i32 to index
        %get3A_659 = arith.constant 208 : index
        %get3A_660 = tpu.vector_load %arg12[%get3A_658, %get3A_659] {strides = array<i32>} : memref<56x224xf32, #tpu.memory_space<vmem>>, vector<1x16xf32>,
        %get3A_661 = vector.shape_cast %get3A_660 : vector<1x16xf32> to vector<16xf32>
        %mul3A_662 = arith.constant 0.370615482 : f32
        %mul3A_663 = vector.broadcast %mul3A_662 : f32 to vector<16xf32>
        %mul3A_664 = arith.mulf %get3A_657, %mul3A_663 : vector<16xf32>
        %mul3A_665 = arith.constant 0.629384517 : f32
        %mul3A_666 = vector.broadcast %mul3A_665 : f32 to vector<16xf32>
        %mul3A_667 = arith.mulf %get3A_661, %mul3A_666 : vector<16xf32>
        %add3A_668 = arith.addf %mul3A_664, %mul3A_667 : vector<16xf32>
        %swap3A_669 = arith.index_cast %add3A_394 : i32 to index
        %swap3A_670 = arith.constant 208 : index
        %swap3A_671 = tpu.vector_load %arg13[%swap3A_669, %swap3A_670] {strides = array<i32>} : memref<56x224xf32, #tpu.memory_space<vmem>>, vector<1x16xf32>,
        %swap3A_672 = vector.shape_cast %swap3A_671 : vector<1x16xf32> to vector<16xf32>
        %swap3A_673 = vector.shape_cast %add3A_668 : vector<16xf32> to vector<1x16xf32>
        tpu.vector_store %arg13[%swap3A_669, %swap3A_670], %swap3A_673 {strides = array<i32>} : memref<56x224xf32, #tpu.memory_space<vmem>>, vector<1x16xf32>,
      }
      %scan3A_334 = arith.constant 56 : i32
      %jit3A_335 = arith.constant 12 : i32
      %div3A_336 = arith.divsi %add3A_244, %jit3A_335 : i32
      %sign3A_337 = arith.constant 0 : i32
      %sign3A_338 = arith.cmpi sgt, %add3A_244, %sign3A_337 : i32
      %sign3A_339 = arith.extui %sign3A_338 : i1 to i32
      %sign3A_340 = arith.constant 0 : i32
      %sign3A_341 = arith.cmpi slt, %add3A_244, %sign3A_340 : i32
      %sign3A_342 = arith.extui %sign3A_341 : i1 to i32
      %sign3A_343 = arith.subi %sign3A_339, %sign3A_342 : i32
      %sign3A_344 = arith.constant 0 : i32
      %sign3A_345 = arith.cmpi sgt, %jit3A_335, %sign3A_344 : i32
      %sign3A_346 = arith.extui %sign3A_345 : i1 to i32
      %sign3A_347 = arith.constant 0 : i32
      %sign3A_348 = arith.cmpi slt, %jit3A_335, %sign3A_347 : i32
      %sign3A_349 = arith.extui %sign3A_348 : i1 to i32
      %sign3A_350 = arith.subi %sign3A_346, %sign3A_349 : i32
      %ne3A_351 = arith.cmpi ne, %sign3A_343, %sign3A_350 : i32
      %rem3A_352 = arith.remsi %add3A_244, %jit3A_335 : i32
      %ne3A_353 = arith.constant 0 : i32
      %ne3A_354 = arith.cmpi ne, %rem3A_352, %ne3A_353 : i32
      %and3A_355 = arith.andi %ne3A_351, %ne3A_354 : i1
      %sub3A_356 = arith.constant 1 : i32
      %sub3A_357 = arith.subi %div3A_336, %sub3A_356 : i32
      %select_n3A_358 = arith.select %and3A_355, %sub3A_357, %div3A_336 : i32
      %mul3A_359 = arith.constant 672 : i32
      %mul3A_360 = arith.muli %select_n3A_358, %mul3A_359 : i32
      %add3A_361 = arith.addi %mul3A_4, %mul3A_360 : i32
      %jit3A_362 = arith.constant 12 : i32
      %eq3A_363 = arith.constant 0 : i32
      %eq3A_364 = arith.cmpi eq, %jit3A_362, %eq3A_363 : i32
      %jit3A_365 = arith.constant 1 : i32
      %select_n3A_366 = arith.select %eq3A_364, %jit3A_365, %jit3A_362 : i32
      %rem3A_367 = arith.remsi %add3A_244, %select_n3A_366 : i32
      %ne3A_368 = arith.constant 0 : i32
      %ne3A_369 = arith.cmpi ne, %rem3A_367, %ne3A_368 : i32
      %lt3A_370 = arith.constant 0 : i32
      %lt3A_371 = arith.cmpi slt, %rem3A_367, %lt3A_370 : i32
      %lt3A_372 = arith.constant 0 : i32
      %lt3A_373 = arith.cmpi slt, %select_n3A_366, %lt3A_372 : i32
      %ne3A_374 = arith.xori %lt3A_371, %lt3A_373 : i1
      %and3A_375 = arith.andi %ne3A_374, %ne3A_369 : i1
      %add3A_376 = arith.addi %rem3A_367, %select_n3A_366 : i32
      %select_n3A_377 = arith.select %and3A_375, %add3A_376, %rem3A_367 : i32
      %mul3A_378 = arith.constant 56 : i32
      %mul3A_379 = arith.muli %select_n3A_377, %mul3A_378 : i32
      %add3A_380 = arith.addi %add3A_361, %mul3A_379 : i32
      %dma_start3A_381 = arith.constant 0 : i32
      %dma_start3A_382 = tpu.memref_slice %arg5[%add3A_380, %dma_start3A_381] : memref<172032x224xf32, #tpu.memory_space<hbm>> -> memref<56x224xf32, #tpu.memory_space<hbm>>
      %dma_start3A_383 = arith.constant 0 : i32
      %dma_start3A_384 = tpu.memref_slice %arg5[%add3A_380, %dma_start3A_383] : memref<172032x224xf32, #tpu.memory_space<hbm>> -> memref<56x224xf32, #tpu.memory_space<hbm>>
      tpu.enqueue_dma source(%arg13 : memref<56x224xf32, #tpu.memory_space<vmem>>) target(%dma_start3A_384 : memref<56x224xf32, #tpu.memory_space<hbm>>) target_semaphore(%arg21 : memref<!tpu.dma_semaphore, #tpu.memory_space<semaphore_mem>>)
      %lt3A_385 = arith.constant 94 : i32
      %lt3A_386 = arith.cmpi slt, %add3A_103, %lt3A_385 : i32
      %convert_element_type3A_387 = arith.extui %lt3A_386 : i1 to i32
      %cond3A_388 = arith.constant 0 : i32
      %cond3A_389 = arith.cmpi ne, %convert_element_type3A_387, %cond3A_388 : i32
      scf.if %cond3A_389 {
        %add3A_390 = arith.constant 2 : i32
        %add3A_391 = arith.addi %add3A_244, %add3A_390 : i32
        %jit3A_392 = arith.constant 12 : i32
        %div3A_393 = arith.divsi %add3A_391, %jit3A_392 : i32
        %sign3A_394 = arith.constant 0 : i32
        %sign3A_395 = arith.cmpi sgt, %add3A_391, %sign3A_394 : i32
        %sign3A_396 = arith.extui %sign3A_395 : i1 to i32
        %sign3A_397 = arith.constant 0 : i32
        %sign3A_398 = arith.cmpi slt, %add3A_391, %sign3A_397 : i32
        %sign3A_399 = arith.extui %sign3A_398 : i1 to i32
        %sign3A_400 = arith.subi %sign3A_396, %sign3A_399 : i32
        %sign3A_401 = arith.constant 0 : i32
        %sign3A_402 = arith.cmpi sgt, %jit3A_392, %sign3A_401 : i32
        %sign3A_403 = arith.extui %sign3A_402 : i1 to i32
        %sign3A_404 = arith.constant 0 : i32
        %sign3A_405 = arith.cmpi slt, %jit3A_392, %sign3A_404 : i32
        %sign3A_406 = arith.extui %sign3A_405 : i1 to i32
        %sign3A_407 = arith.subi %sign3A_403, %sign3A_406 : i32
        %ne3A_408 = arith.cmpi ne, %sign3A_400, %sign3A_407 : i32
        %rem3A_409 = arith.remsi %add3A_391, %jit3A_392 : i32
        %ne3A_410 = arith.constant 0 : i32
        %ne3A_411 = arith.cmpi ne, %rem3A_409, %ne3A_410 : i32
        %and3A_412 = arith.andi %ne3A_408, %ne3A_411 : i1
        %sub3A_413 = arith.constant 1 : i32
        %sub3A_414 = arith.subi %div3A_393, %sub3A_413 : i32
        %select_n3A_415 = arith.select %and3A_412, %sub3A_414, %div3A_393 : i32
        %jit3A_416 = arith.constant 12 : i32
        %eq3A_417 = arith.constant 0 : i32
        %eq3A_418 = arith.cmpi eq, %jit3A_416, %eq3A_417 : i32
        %jit3A_419 = arith.constant 1 : i32
        %select_n3A_420 = arith.select %eq3A_418, %jit3A_419, %jit3A_416 : i32
        %rem3A_421 = arith.remsi %add3A_391, %select_n3A_420 : i32
        %ne3A_422 = arith.constant 0 : i32
        %ne3A_423 = arith.cmpi ne, %rem3A_421, %ne3A_422 : i32
        %lt3A_424 = arith.constant 0 : i32
        %lt3A_425 = arith.cmpi slt, %rem3A_421, %lt3A_424 : i32
        %lt3A_426 = arith.constant 0 : i32
        %lt3A_427 = arith.cmpi slt, %select_n3A_420, %lt3A_426 : i32
        %ne3A_428 = arith.xori %lt3A_425, %lt3A_427 : i1
        %and3A_429 = arith.andi %ne3A_428, %ne3A_423 : i1
        %add3A_430 = arith.addi %rem3A_421, %select_n3A_420 : i32
        %select_n3A_431 = arith.select %and3A_429, %add3A_430, %rem3A_421 : i32
        %eq3A_432 = arith.constant 1 : i32
        %eq3A_433 = arith.cmpi eq, %select_n3A_415, %eq3A_432 : i32
        %select_n3A_434 = arith.select %eq3A_433, %squeeze3A_8, %squeeze3A : i32
        %eq3A_435 = arith.constant 2 : i32
        %eq3A_436 = arith.cmpi eq, %select_n3A_415, %eq3A_435 : i32
        %select_n3A_437 = arith.select %eq3A_436, %squeeze3A_10, %select_n3A_434 : i32
        %eq3A_438 = arith.constant 3 : i32
        %eq3A_439 = arith.cmpi eq, %select_n3A_415, %eq3A_438 : i32
        %select_n3A_440 = arith.select %eq3A_439, %squeeze3A_12, %select_n3A_437 : i32
        %eq3A_441 = arith.constant 4 : i32
        %eq3A_442 = arith.cmpi eq, %select_n3A_415, %eq3A_441 : i32
        %select_n3A_443 = arith.select %eq3A_442, %squeeze3A_14, %select_n3A_440 : i32
        %eq3A_444 = arith.constant 5 : i32
        %eq3A_445 = arith.cmpi eq, %select_n3A_415, %eq3A_444 : i32
        %select_n3A_446 = arith.select %eq3A_445, %squeeze3A_16, %select_n3A_443 : i32
        %eq3A_447 = arith.constant 6 : i32
        %eq3A_448 = arith.cmpi eq, %select_n3A_415, %eq3A_447 : i32
        %select_n3A_449 = arith.select %eq3A_448, %squeeze3A_18, %select_n3A_446 : i32
        %eq3A_450 = arith.constant 7 : i32
        %eq3A_451 = arith.cmpi eq, %select_n3A_415, %eq3A_450 : i32
        %select_n3A_452 = arith.select %eq3A_451, %squeeze3A_20, %select_n3A_449 : i32
        %mul3A_453 = arith.constant 672 : i32
        %mul3A_454 = arith.muli %select_n3A_415, %mul3A_453 : i32
        %add3A_455 = arith.addi %mul3A_4, %mul3A_454 : i32
        %mul3A_456 = arith.constant 56 : i32
        %mul3A_457 = arith.muli %select_n3A_431, %mul3A_456 : i32
        %add3A_458 = arith.addi %add3A_455, %mul3A_457 : i32
        %mul3A_459 = arith.constant 672 : i32
        %mul3A_460 = arith.muli %select_n3A_452, %mul3A_459 : i32
        %mul3A_461 = arith.constant 56 : i32
        %mul3A_462 = arith.muli %select_n3A_431, %mul3A_461 : i32
        %add3A_463 = arith.addi %mul3A_460, %mul3A_462 : i32
        %dma_start3A_464 = arith.constant 0 : i32
        %dma_start3A_465 = tpu.memref_slice %arg2[%add3A_458, %dma_start3A_464] : memref<172032x224xf32, #tpu.memory_space<hbm>> -> memref<56x224xf32, #tpu.memory_space<hbm>>
        %dma_start3A_466 = arith.constant 0 : i32
        %dma_start3A_467 = tpu.memref_slice %arg2[%add3A_458, %dma_start3A_466] : memref<172032x224xf32, #tpu.memory_space<hbm>> -> memref<56x224xf32, #tpu.memory_space<hbm>>
        tpu.enqueue_dma source(%dma_start3A_467 : memref<56x224xf32, #tpu.memory_space<hbm>>) target(%arg11 : memref<56x224xf32, #tpu.memory_space<vmem>>) target_semaphore(%arg19 : memref<!tpu.dma_semaphore, #tpu.memory_space<semaphore_mem>>)
        %dma_start3A_468 = arith.constant 0 : i32
        %dma_start3A_469 = tpu.memref_slice %arg2[%add3A_463, %dma_start3A_468] : memref<172032x224xf32, #tpu.memory_space<hbm>> -> memref<56x224xf32, #tpu.memory_space<hbm>>
        %dma_start3A_470 = arith.constant 0 : i32
        %dma_start3A_471 = tpu.memref_slice %arg2[%add3A_463, %dma_start3A_470] : memref<172032x224xf32, #tpu.memory_space<hbm>> -> memref<56x224xf32, #tpu.memory_space<hbm>>
        tpu.enqueue_dma source(%dma_start3A_471 : memref<56x224xf32, #tpu.memory_space<hbm>>) target(%arg12 : memref<56x224xf32, #tpu.memory_space<vmem>>) target_semaphore(%arg20 : memref<!tpu.dma_semaphore, #tpu.memory_space<semaphore_mem>>)
      } else {
      }
    }
    %scan3A_83 = arith.constant 48 : i32
    %add3A_84 = arith.constant 4704 : i32
    %add3A_85 = arith.addi %mul3A_4, %add3A_84 : i32
    %add3A_86 = arith.constant 560 : i32
    %add3A_87 = arith.addi %add3A_85, %add3A_86 : i32
    %dma_wait3A = arith.constant 0 : i32
    %dma_wait3A_88 = tpu.memref_slice %arg5[%add3A_87, %dma_wait3A] : memref<172032x224xf32, #tpu.memory_space<hbm>> -> memref<56x224xf32, #tpu.memory_space<hbm>>
    %dma_wait3A_89 = arith.constant 0 : i32
    %dma_wait3A_90 = tpu.memref_slice %arg5[%add3A_87, %dma_wait3A_89] : memref<172032x224xf32, #tpu.memory_space<hbm>> -> memref<56x224xf32, #tpu.memory_space<hbm>>
    tpu.wait_dma2 semaphore(%arg18 : memref<!tpu.dma_semaphore, #tpu.memory_space<semaphore_mem>>) src(%arg10 : memref<56x224xf32, #tpu.memory_space<vmem>>) dst(%dma_wait3A_90 : memref<56x224xf32, #tpu.memory_space<hbm>>)
    %add3A_91 = arith.constant 4704 : i32
    %add3A_92 = arith.addi %mul3A_4, %add3A_91 : i32
    %add3A_93 = arith.constant 616 : i32
    %add3A_94 = arith.addi %add3A_92, %add3A_93 : i32
    %dma_wait3A_95 = arith.constant 0 : i32
    %dma_wait3A_96 = tpu.memref_slice %arg5[%add3A_94, %dma_wait3A_95] : memref<172032x224xf32, #tpu.memory_space<hbm>> -> memref<56x224xf32, #tpu.memory_space<hbm>>
    %dma_wait3A_97 = arith.constant 0 : i32
    %dma_wait3A_98 = tpu.memref_slice %arg5[%add3A_94, %dma_wait3A_97] : memref<172032x224xf32, #tpu.memory_space<hbm>> -> memref<56x224xf32, #tpu.memory_space<hbm>>
    tpu.wait_dma2 semaphore(%arg21 : memref<!tpu.dma_semaphore, #tpu.memory_space<semaphore_mem>>) src(%arg13 : memref<56x224xf32, #tpu.memory_space<vmem>>) dst(%dma_wait3A_98 : memref<56x224xf32, #tpu.memory_space<hbm>>)
    return
  }
}

</mosaic_0001>

<sc_bundles>
// kernel: kernel.3.cloned.1.call-start
scs
__scs_entry_jumppad:
0x0: {  	(pc) =	sbr.rel $0x88, $3  }
0x1: {  	(tag) =	ssettag $0x0;
	lr =	simm.s32 $0x1  }
0x2: {  	[smem:$0x3F9E] =	sst lr;
	_ =	strace $0xD0000000  }
0x3: {  	_ = 	snop  }
0x4: {  	_ = 	snop  }
0x5: {  	_ = 	snop  }
0x6: {  	_ = 	snop  }
0x7: {  	_ = 	snop  }
__scs_overlays_trampoline_lowered:
0x8: {  	[smem:$0x3FAD] =	sst s0  }
0x9: {  	[smem:$0x3FAE] =	sst s1  }
0xa: {  	[smem:$0x3FAF] =	sst s2  }
0xb: {  	[smem:$0x3FB0] =	sst s3  }
0xc: {  	[smem:$0x3FB1] =	sst s4  }
0xd: {  	[smem:$0x3FB2] =	sst s5  }
0xe: {  	[smem:$0x3FB3] =	sst s6  }
0xf: {  	[smem:$0x3FB4] =	sst s7  }
0x10: {  	[smem:$0x3FB5] =	sst s8  }
0x11: {  	[smem:$0x3FB6] =	sst s9;
	s0 =	simm.s32 @!p0 $0x0  }
0x12: {  	s1 =	sld [smem:$0x3F9C];
	s0 =	simm.s32 @p0 $0x1  }
0x13: {  	[smem:$0x3FB7] =	sst s0;
	s0 =	simm.s32 @!p1 $0x0  }
0x14: {  	s2 =	sld [smem:$0x3F9B];
	s0 =	simm.s32 @p1 $0x1  }
0x15: {  	[smem:$0x3FB8] =	sst s0;
	s0 =	simm.s32 @!p2 $0x0  }
0x16: {  	s3 =	sld [smem:$0x3FDB];
	s0 =	simm.s32 @p2 $0x1  }
0x17: {  	s4 =	simm.s32 $0x1BF5;
	[smem:$0x3FBA] =	sst s0  }
0x18: {  	s0 =	sld [smem:$0x3F9D];
	_ =	swait.ge [sflag:s4], $0x0  }
0x19: {  	s7 =	sld [smem:$0x3F9E]  }
0x1a: {  	s8 =	sadd.s32 $0xFFFFE003, lr  }
0x1b: {  	s9 =	sadd.s32 $0xFFFFFEF7, lr;
	s5 =	simm.s32 $0xFFFFFFFF;
	p2 =	slt.u32 s8, $0xFFFFF086  }
0x1c: {  	p1 =	slt.u32 s9, $0xF7A;
	s5 =	simm.s32 @!p2 $0x0  }
0x1d: {  	s5 =	simm.s32 @p1 $0x1;
	p0 =	seq.s32 s7, s2  }
0x1e: {  	s7 =	smul.u32 @!p0 $0xF7A, s2;
	p2 =	seq.s32 @!p0 s5, $0x0  }
0x1f: {  	s9 =	smul.u32 $0xF7A, s1;
	s8 =	simm.s32 @!p0 $0x1BF5;
	p2 =	por !p2, p0  }
0x20: {  	[sflag:s8] =	ssyncset.s32 @!p0 $0xFFFFF086;
	s6 =	sadd.s32 @!p0 s3, s7;
	s7 =	simm.s32 @!p0 $0x108  }
0x21: {  	s3 =	sadd.s32 s3, s9;
	s6 =	sadd.s32 @!p0 $0x88, s6;
	s7 =	simm.s32 @p2 $0x1082  }
0x22: {  	[simem:s7], [sflag:s8] =	dma.local @!p0 [hbm:s6], $0xF7A  }
0x23: {  	s9 =	sor.u32 $0xD0000000, s2;
	s6 =	simm.s32 $0x108;
	_ =	swait.ge @!p0 [sflag:s8], $0x0  }
0x24: {  	s3 =	sadd.s32 $0x88, s3;
	s6 =	simm.s32 @!p1 $0x1082;
	[sflag:s4] =	ssyncset.s32 $0xFFFFF086  }
0x25: {  	[simem:s6], [sflag:s4] =	dma.local [hbm:s3], $0xF7A  }
0x26: {  	[smem:$0x3F9E] =	sst s1;
	(tag) =	ssettag s2;
	_ =	strace s9  }
0x27: {  	s1 =	sld [smem:$0x3FAE]  }
0x28: {  	s2 =	sld [smem:$0x3FAF]  }
0x29: {  	s4 =	sld [smem:$0x3FB1]  }
0x2a: {  	p0 =	seq.s32 s5, $0x0;
	s5 =	sld [smem:$0x3FB2]  }
0x2b: {  	s6 =	sld [smem:$0x3FB3]  }
0x2c: {  	s7 =	sld [smem:$0x3FB4]  }
0x2d: {  	s3 =	simm.s32 $0x108;
	s8 =	sld [smem:$0x3FB5]  }
0x2e: {  	s3 =	simm.s32 @!p0 $0x1082;
	s9 =	sld [smem:$0x3FB6]  }
0x2f: {  	lr =	sadd.s32 s0, s3;
	s0 =	sld [smem:$0x3FAD]  }
0x30: {  	s3 =	sld [smem:$0x3FB0]  }
0x31: {  	[smem:$0x3FB9] =	sst s10  }
0x32: {  	s10 =	sld [smem:$0x3FB7];
	_ =	sdelay $0x3  }
0x33: {  	p0 =	seq.s32 s10, $0x1;
	s10 =	sld [smem:$0x3FB9];
	_ =	sdelay $0x3  }
0x34: {  	[smem:$0x3FB9] =	sst s10  }
0x35: {  	s10 =	sld [smem:$0x3FB8];
	_ =	sdelay $0x3  }
0x36: {  	p1 =	seq.s32 s10, $0x1;
	s10 =	sld [smem:$0x3FB9];
	_ =	sdelay $0x3  }
0x37: {  	[smem:$0x3FB9] =	sst s10  }
0x38: {  	s10 =	sld [smem:$0x3FBA]  }
0x39: {  	_ = 	snop;
	(pc) =	sbr.ind lr, $3  }
0x3a: {  	_ = 	snop  }
0x3b: {  	_ = 	snop  }
0x3c: {  	p2 =	seq.s32 s10, $0x1;
	s10 =	sld [smem:$0x3FB9]  }
0x3d: {  	_ =	shalt  }
0x3e: {  	_ =	shalt  }
0x3f: {  	_ =	shalt  }
0x40: {  	_ =	shalt  }
0x41: {  	_ =	shalt  }
0x42: {  	_ =	shalt  }
0x43: {  	_ =	shalt  }
0x44: {  	_ =	shalt  }
0x45: {  	_ =	shalt  }
0x46: {  	_ =	shalt  }
0x47: {  	_ =	shalt  }
0x48: {  	_ =	shalt  }
0x49: {  	_ =	shalt  }
0x4a: {  	_ =	shalt  }
0x4b: {  	_ =	shalt  }
0x4c: {  	_ =	shalt  }
0x4d: {  	_ =	shalt  }
0x4e: {  	_ =	shalt  }
0x4f: {  	_ =	shalt  }
0x50: {  	_ =	shalt  }
0x51: {  	_ =	shalt  }
0x52: {  	_ =	shalt  }
0x53: {  	_ =	shalt  }
0x54: {  	_ =	shalt  }
0x55: {  	_ =	shalt  }
0x56: {  	_ =	shalt  }
0x57: {  	_ =	shalt  }
0x58: {  	_ =	shalt  }
0x59: {  	_ =	shalt  }
0x5a: {  	_ =	shalt  }
0x5b: {  	_ =	shalt  }
0x5c: {  	_ =	shalt  }
0x5d: {  	_ =	shalt  }
0x5e: {  	_ =	shalt  }
0x5f: {  	_ =	shalt  }
0x60: {  	_ =	shalt  }
0x61: {  	_ =	shalt  }
0x62: {  	_ =	shalt  }
0x63: {  	_ =	shalt  }
0x64: {  	_ =	shalt  }
0x65: {  	_ =	shalt  }
0x66: {  	_ =	shalt  }
0x67: {  	_ =	shalt  }
0x68: {  	_ =	shalt  }
0x69: {  	_ =	shalt  }
0x6a: {  	_ =	shalt  }
0x6b: {  	_ =	shalt  }
0x6c: {  	_ =	shalt  }
0x6d: {  	_ =	shalt  }
0x6e: {  	_ =	shalt  }
0x6f: {  	_ =	shalt  }
0x70: {  	_ =	shalt  }
0x71: {  	_ =	shalt  }
0x72: {  	_ =	shalt  }
0x73: {  	_ =	shalt  }
0x74: {  	_ =	shalt  }
0x75: {  	_ =	shalt  }
0x76: {  	_ =	shalt  }
0x77: {  	_ =	shalt  }
0x78: {  	_ =	shalt  }
0x79: {  	_ =	shalt  }
0x7a: {  	_ =	shalt  }
0x7b: {  	_ =	shalt  }
0x7c: {  	_ =	shalt  }
0x7d: {  	_ =	shalt  }
0x7e: {  	_ =	shalt  }
0x7f: {  	_ =	shalt  }
0x80: {  	_ =	shalt  }
0x81: {  	_ =	shalt  }
0x82: {  	_ =	shalt  }
0x83: {  	_ =	shalt  }
0x84: {  	_ =	shalt  }
0x85: {  	_ =	shalt  }
0x86: {  	_ =	shalt  }
0x87: {  	_ =	shalt  }
.Lfunc_end0:
.L_simem_size_0:
called_computation.1_lowered:
.L_overlay_start_0:
0x88: {  	s2 =	sld [smem:$0x3FD9]  }
0x89: {  	s3 =	sld [smem:$0x3FFE];
	_ =	sdelay $0x1  }
0x8a: {  	s1 =	srdreg.scid  }
0x8b: {  	s0 =	sand.u32 $0x1, s1  }
0x8c: {  	s14 =	sshll.u32 s0, $0xA;
	s2 =	sadd.s32 s3, s2  }
0x8d: {  	s2 =	sadd.s32 s2, s14  }
0x8e: {  	[smem:$0x3FC5] =	sst s2  }
0x8f: {  	_ = 	snop  }
0x90: {  	s2 =	sld [smem:$0x3FD0];
	_ =	sdelay $0x2  }
0x91: {  	s15 =	simm.s32 $0xA;
	s4 =	simm.s32 $0x10  }
0x92: {  	[smem:s4], [sflag:s15] =	dma.local [hbm:s2], $0x1  }
0x93: {  	_ =	swait.eq [sflag:s15], $0x1  }
0x94: {  	[sflag:s15] =	ssyncset.done $0x0  }
0x95: {  	[sflag:s15] =	ssyncadd.s32 $0xFFFFFFFF  }
0x96: {  	s16 =	sld [smem:$0x10];
	(tm) =	ssettm $0x1  }
0x97: {  	s17 =	sld [smem:$0x3FFB];
	_ =	sdelay $0x3  }
0x98: {  	_ =	strace s17  }
0x99: {  	s3 =	sld [smem:$0x3FFC];
	_ =	sdelay $0x3  }
0x9a: {  	_ =	strace s3  }
0x9b: {  	s3 =	sld [smem:$0x3FFD];
	_ =	sdelay $0x3  }
0x9c: {  	_ =	strace s3  }
0x9d: {  	_ =	strace $0x8FFFFFFF  }
0x9e: {  	s18 =	sld [smem:$0x3FDB];
	_ =	sdelay $0x1  }
0x9f: {  	s19 =	simm.s32 $_scs_section_size  }
0xa0: {  	s5 =	simm.s32 $_size__tile_overlayer_lowered;
	s6 =	simm.s32 $_tile_overlayer_lowered  }
0xa1: {  	s22 =	simm.s32 $0x1BFF;
	s21 =	sshll.u32 s6, $0x1;
	s3 =	sadd.s32 s19, s18  }
0xa2: {  	s7 =	simm.s32 $0x0;
	s20 =	sshll.u32 s5, $0x1;
	s5 =	sadd.s32 s21, s3  }
0xa3: {  	[timem:s7], [sflag:s22] =	dma.local [hbm:s5], s20  }
0xa4: {  	_ =	swait.ge [sflag:s22], s20  }
0xa5: {  	s4 =	ssub.s32 $0x0, s20;
	[sflag:s22] =	ssyncset.done $0x0  }
0xa6: {  	[sflag:s22] =	ssyncadd.s32 s4;
	_ =	sdelay $0x1  }
0xa7: {  	s23 =	simm.s32 $0x1B8B  }
0xa8: {  	_ =	swait.ge [sflag:s23], $0x1  }
0xa9: {  	[sflag:s23] =	ssyncset.done $0x0  }
0xaa: {  	s25 =	simm.s32 $0x1B8E;
	s24 =	sld [smem:$0x3FFE];
	[sflag:s23] =	ssyncadd.s32 $0xFFFFFFFF  }
0xab: {  	s26 =	simm.s32 $execute0_lowered;
	[smem:$0x3FD2] =	sst s25  }
0xac: {  	s5 =	sshll.u32 s26, $0x1;
	_ =	strace $0x80000046;
	[dreg:$0x1] =	wrdreg $0xFFFFFFFF  }
0xad: {  	s28 =	simm.s32 $_size_execute0_lowered;
	s3 =	sadd.s32 s3, s5;
	[dreg:$0x0] =	wrdreg $0x0  }
0xae: {  	s5 =	sshll.u32 s28, $0x1;
	[dreg:$0x2] =	wrdreg s3  }
0xaf: {  	[dreg:$0x3] =	wrdreg s5  }
0xb0: {  	[dreg:$0x4] =	wrdreg $0xC0  }
0xb1: {  	_ =	task [dreg:s7], $0x5FFFF  }
0xb2: {  	[dreg:$0x1] =	wrdreg $0xFFFFFFFF  }
0xb3: {  	[dreg:$0x0] =	wrdreg $0x60  }
0xb4: {  	[dreg:$0x2] =	wrdreg s24  }
0xb5: {  	[dreg:$0x3] =	wrdreg s16  }
0xb6: {  	[dreg:$0x4] =	wrdreg $0x9  }
0xb7: {  	_ =	task.clear_ibuf [dreg:s7], $0x5FFFF;
	_ =	strace $0x90000046  }
0xb8: {  	s29 =	simm.s32 $0x9;
	_ =	strace $0x80000048  }
0xb9: {  	_ =	swait.ge [sflag:s29], $0x1  }
0xba: {  	[sflag:s29] =	ssyncadd.s32 $0xFFFFFFFF  }
0xbb: {  	_ =	strace $0x90000048  }
0xbc: {  	_ =	sfence  }
0xbd: {  	s30 =	sld [smem:$0x0];
	_ =	sdelay $0x2  }
0xbe: {  	s31 =	sshll.u32 s1, $0xD;
	s1 =	sshrl.u32 s1, $0x2  }
0xbf: {  	s3 =	sand.u32 $0x4000, s31;
	s1 =	sadd.s32 s1, s30  }
0xc0: {  	s0 =	sor.u32 s3, s0;
	s1 =	sshll.u32 s1, $0x11  }
0xc1: {  	s0 =	sor.u32 s1, s0  }
0xc2: {  	s0 =	sadd.s32 $0x8F2B, s0  }
0xc3: {  	[sflag:s0] =	ssyncadd.remote.s32 $0x1  }
0xc4: {  	_ =	sfence.sel $0xFFFF  }
0xc5: {  	[dreg:$0x0] =	wrdreg $0xFFFFFFFF;
	(pc) =	sbr.abs _section_cstart, $3  }
0xc6: {  	[dreg:$0x1] =	wrdreg $0xFFFFFFFF  }
0xc7: {  	_ =	task.clear_ibuf [dreg:s7], $0x2FFFF;
	_ =	strace $0x9FFFFFFF  }
0xc8: {  	(tm) =	ssettm $0x7FFFFFFF  }
0xc9: {  	_ =	shalt  }
tec
execute0_lowered:
.L_overlay_start_1:
0x0: {  	(tag) =	ssettag $0x1  }
0x1: {  	s0 =	rddreg [dreg:$0x0];
	s3 =	simm.s32 $0x0;
	s1 =	srdreg.scid  }
0x2: {  	s2 =	stileid.u32;
	s17 =	simm.s32 $0xA880;
	s18 =	simm.s32 $0xE080  }
0x3: {  	s19 =	simm.s32 $0x1;
	s20 =	simm.s32 $0x2;
	s21 =	simm.s32 $0x7080  }
0x4: {  	s22 =	simm.s32 $0x4;
	s23 =	simm.s32 $0x5;
	[smem:$0x7FF] =	sst s3  }
0x5: {  	s1 =	sand.u32 $0x1, s1;
	s4 =	sadd.s32 $0x1000, s0;
	s9 =	sadd.s32 $0x541000, s0  }
0x6: {  	s2 =	sshll.u32 s2, $0x1;
	s6 =	sadd.s32 $0x542200, s0;
	s8 =	sadd.s32 $0x541200, s0  }
0x7: {  	s0 =	sadd.s32 $0x541A00, s0;
	_ =	strace $0x80000047;
	[dreg:$0x4] =	wrdreg s8  }
0x8: {  	s5 =	ssub.s32 $0x2, s1;
	s1 =	sor.u32 s1, s2;
	[dreg:$0x3] =	wrdreg s9  }
0x9: {  	s24 =	simm.s32 $0x11880;
	[dreg:$0x7] =	wrdreg s0;
	s7 =	smul.u32 $0x2A000, s1  }
.Ltmp0:
0xa: {  	s25 =	sshrl.u32 s5, $0x1;
	s26 =	sadd.s32 s9, s1;
	(pc) =	sbr.rel .LBB2_1-.Ltmp0, $4  }
0xb: {  	s2 =	ssub.s32 s5, s25;
	[dreg:$0x5] =	wrdreg s26;
	s29 =	sadd.s32 s4, s7  }
0xc: {  	s28 =	simm.s32 $0x0;
	s31 =	smax.u32 s2, $0x1;
	[dreg:$0x6] =	wrdreg s29  }
0xd: {  	s8 =	smul.u32 $0x1500, s1;
	s30 =	sadd.s32 $0x700, s29;
	[dreg:$0x9] =	wrdreg s31  }
0xe: {  	p0 =	sne.s32 s1, $0x0;
	s26 =	simm.s32 $0x6;
	[dreg:$0x8] =	wrdreg s30  }
.LBB2_8:
0xf: {  	s0 =	simm.s32 $0x3  }
0x10: {  	_ =	swait.ge [sflag:s0], $0x3800  }
0x11: {  	[sflag:s0] =	ssyncset.done $0x0  }
0x12: {  	[sflag:s0] =	ssyncadd.s32 $0xFFFFC800  }
0x13: {  	_ =	swait.ge [sflag:s26], $0x3800  }
0x14: {  	s28 =	sadd.s32 $0x1, s28;
	s31 =	rddreg [dreg:$0x9]  }
0x15: {  	p1 =	sne.s32 s28, s31  }
.Ltmp1:
0x16: {  	_ = 	snop;
	(pc) =	sbr.rel @!p1 .LBB2_9-.Ltmp1, $3  }
0x17: {  	_ =	sdelay $0x1  }
0x18: {  	[sflag:s26] =	ssyncset.done $0x0  }
0x19: {  	[sflag:s26] =	ssyncadd.s32 $0xFFFFC800  }
.LBB2_1:
0x1a: {  	s0 =	rddreg [dreg:$0x5];
	s9 =	simm.s32 $0x7  }
0x1b: {  	[tilespmem:s3], [sflag:$0x7] =	stream.linear.gather [hbm4b:s0+s3], $0x10, $0x38;
	[tilespmem:$0x19180] =	vst v63  }
0x1c: {  	_ =	swait.ge [sflag:s9], $0x10  }
0x1d: {  	[sflag:s9] =	ssyncset.done $0x0  }
0x1e: {  	[sflag:s9] =	ssyncadd.s32 $0xFFFFFFF0  }
0x1f: {  	v0 =	vld [tilespmem:$0x0];
	_ =	sdelay $0x4  }
0x20: {  	(v2sf) =	vpush v0, $0x0  }
0x21: {  	(v2sf) =	vpush v0, $0x1  }
0x22: {  	(v2sf) =	vpush v0, $0x2  }
0x23: {  	(v2sf) =	vpush v0, $0x3  }
0x24: {  	(v2sf) =	vpush v0, $0x4  }
0x25: {  	(v2sf) =	vpush v0, $0x5  }
0x26: {  	(v2sf) =	vpush v0, $0x6  }
0x27: {  	(v2sf) =	vpush v0, $0x7;
	_ =	sdelay $0x5  }
0x28: {  	s5 =	simm.s32 @!p0 $0x0;
	s7 =	simm.s32 @!p0 $0x15080;
	s1 =	rddreg [dreg:$0x3]  }
0x29: {  	[tilespmem:s7], [sflag:$0x7] =	stream.linear.gather @!p0 [hbm4b:s1+s5], $0x100, $0x38;
	[tilespmem:$0x19180] =	vst v63  }
0x2a: {  	s29 =	spop (v2sf)  }
0x2b: {  	s30 =	spop (v2sf)  }
0x2c: {  	s31 =	spop (v2sf)  }
0x2d: {  	s0 =	spop (v2sf)  }
0x2e: {  	s2 =	spop (v2sf)  }
0x2f: {  	s15 =	spop (v2sf)  }
0x30: {  	s16 =	spop (v2sf)  }
0x31: {  	s9 =	simm.s32 @!p0 $0x7;
	s1 =	spop (v2sf)  }
0x32: {  	_ =	swait.ge @!p0 [sflag:s9], $0x100  }
0x33: {  	[sflag:s9] =	ssyncset.done @!p0 $0x0  }
0x34: {  	[sflag:s9] =	ssyncadd.s32 @!p0 $0xFFFFFF00  }
0x35: {  	s10 =	simm.s32 @!p0 $0x80;
	s11 =	simm.s32 @!p0 $0x15180;
	s13 =	rddreg [dreg:$0x1]  }
0x36: {  	[tilespmem:s11], [sflag:$0x1] =	stream.indirect.gather @!p0 [hbm4b:s13+s10], $0x80, s7, s10, $0xb8;
	[tilespmem:$0x19180] =	vst v63  }
0x37: {  	s7 =	simm.s32 @!p0 $0x1  }
0x38: {  	_ =	swait.ge @!p0 [sflag:s7], $0x4000  }
0x39: {  	[sflag:s7] =	ssyncset.done @!p0 $0x0  }
0x3a: {  	s12 =	rddreg [dreg:$0x4];
	[sflag:s7] =	ssyncadd.s32 @!p0 $0xFFFFC000  }
0x3b: {  	[hbm4b:s12+s5] =	stream.linear.scatter @!p0 [tilespmem:s11], [sflag:$0x7], $0x4000, $0x38;
	[tilespmem:$0x19180] =	vst v63  }
0x3c: {  	_ =	swait.ge @!p0 [sflag:s9], $0x4000  }
0x3d: {  	[sflag:s9] =	ssyncset.done @!p0 $0x0  }
0x3e: {  	s12 =	simm.s32 @!p0 $0x15100;
	[sflag:s9] =	ssyncadd.s32 @!p0 $0xFFFFC000  }
0x3f: {  	[tilespmem:s11], [sflag:$0x1] =	stream.indirect.gather @!p0 [hbm4b:s13+s10], $0x80, s12, s10, $0xb8;
	[tilespmem:$0x19180] =	vst v63  }
0x40: {  	_ =	swait.ge @!p0 [sflag:s7], $0x4000  }
0x41: {  	[sflag:s7] =	ssyncset.done @!p0 $0x0  }
0x42: {  	[sflag:s7] =	ssyncadd.s32 @!p0 $0xFFFFC000;
	s7 =	rddreg [dreg:$0x7]  }
0x43: {  	[hbm4b:s7+s5] =	stream.linear.scatter @!p0 [tilespmem:s11], [sflag:$0x7], $0x4000, $0x38;
	[tilespmem:$0x19180] =	vst v63  }
0x44: {  	s10 =	smul.u32 $0x2A000, s29;
	_ =	swait.ge @!p0 [sflag:s9], $0x4000  }
0x45: {  	s12 =	simm.s32 $0x80;
	[sflag:s9] =	ssyncset.done @!p0 $0x0  }
0x46: {  	s13 =	sshrl.u32 s10, $0x3;
	s11 =	rddreg [dreg:$0x6];
	[sflag:s9] =	ssyncadd.s32 @!p0 $0xFFFFC000  }
0x47: {  	[tilespmem:s12], [sflag:$0x1] =	stream.linear.gather [hbm4b:s11+s3], $0x3800, $0x38;
	[tilespmem:$0x19180] =	vst v63  }
0x48: {  	s14 =	simm.s32 $0x3880;
	s7 =	sadd.s32 s4, s13;
	s5 =	sadd.s32 $0x3800, s10  }
0x49: {  	[tilespmem:s14], [sflag:$0x2] =	stream.linear.gather [hbm4b:s7+s3], $0x3800, $0x38;
	[tilespmem:$0x19180] =	vst v63  }
0x4a: {  	s5 =	sshrl.u32 s5, $0x3;
	s25 =	rddreg [dreg:$0x8]  }
0x4b: {  	[tilespmem:s17], [sflag:$0x4] =	stream.linear.gather [hbm4b:s25+s3], $0x3800, $0x38;
	[tilespmem:$0x19180] =	vst v63  }
0x4c: {  	s5 =	sadd.s32 s4, s5;
	s7 =	simm.s32 $0x0  }
0x4d: {  	[tilespmem:s18], [sflag:$0x5] =	stream.linear.gather [hbm4b:s5+s3], $0x3800, $0x38;
	[tilespmem:$0x19180] =	vst v63  }
.LBB2_2:
0x4e: {  	_ =	swait.ge [sflag:s19], $0x3800  }
0x4f: {  	[sflag:s19] =	ssyncset.done $0x0  }
0x50: {  	[sflag:s19] =	ssyncadd.s32 $0xFFFFC800  }
0x51: {  	_ =	swait.ge [sflag:s20], $0x3800  }
0x52: {  	p1 =	seq.s32 s7, $0x0;
	[sflag:s20] =	ssyncset.done $0x0  }
0x53: {  	s5 =	simm.s32 @!p1 $0x3;
	[sflag:s20] =	ssyncadd.s32 $0xFFFFC800  }
0x54: {  	s9 =	simm.s32 $0x0;
	_ =	swait.ge @!p1 [sflag:s5], $0x3800  }
0x55: {  	s10 =	sand.u32 $0x3800, s9;
	s9 =	sand.u32 $0x380, s9;
	[sflag:s5] =	ssyncset.done @!p1 $0x0  }
0x56: {  	s12 =	sor.u32 s9, s10;
	[sflag:s5] =	ssyncadd.s32 @!p1 $0xFFFFC800  }
0x57: {  	v0 =	vld [tilespmem:s12+$0x4D0]  }
0x58: {  	v1 =	vld [tilespmem:s12+$0x3CD0]  }
0x59: {  	v2 =	vld [tilespmem:s12+$0x80]  }
0x5a: {  	v3 =	vld [tilespmem:s12+$0x3880]  }
0x5b: {  	v4 =	vld [tilespmem:s12+$0x90]  }
0x5c: {  	v5 =	vld [tilespmem:s12+$0x3890]  }
0x5d: {  	v6 =	vld [tilespmem:s12+$0xA0];
	v0 =	vmul.f32 $3.706154820e-01, v0;
	v1 =	vmul.f32 $6.293845170e-01, v1  }
0x5e: {  	v7 =	vld [tilespmem:s12+$0x38A0]  }
0x5f: {  	v8 =	vld [tilespmem:s12+$0xB0];
	v2 =	vmul.f32 $3.706154820e-01, v2;
	v3 =	vmul.f32 $6.293845170e-01, v3;
	v0 =	vadd.f32 v1, v0  }
0x60: {  	v1 =	vld [tilespmem:s12+$0x38B0]  }
0x61: {  	v9 =	vld [tilespmem:s12+$0xC0];
	v2 =	vadd.f32 v3, v2;
	v3 =	vmul.f32 $6.293845170e-01, v5;
	[tilespmem:s12+$0x74D0] =	vst v0;
	v0 =	vmul.f32 $3.706154820e-01, v4  }
0x62: {  	v4 =	vld [tilespmem:s12+$0x38C0]  }
0x63: {  	v5 =	vmul.f32 $6.293845170e-01, v7;
	[tilespmem:s12+$0x7080] =	vst v2;
	v2 =	vld [tilespmem:s12+$0xD0];
	v0 =	vadd.f32 v3, v0;
	v3 =	vmul.f32 $3.706154820e-01, v6  }
0x64: {  	s13 =	smul.u32 $0x156, s7;
	v6 =	vld [tilespmem:s12+$0x38D0]  }
0x65: {  	v7 =	vld [tilespmem:s12+$0x38E0];
	v1 =	vmul.f32 $6.293845170e-01, v1;
	[tilespmem:s12+$0x7090] =	vst v0;
	v0 =	vadd.f32 v5, v3;
	v5 =	vmul.f32 $3.706154820e-01, v8  }
0x66: {  	s5 =	sshrl.u32 s13, $0xB;
	v3 =	vld [tilespmem:s12+$0xE0]  }
0x67: {  	v8 =	vld [tilespmem:s12+$0x38F0];
	v4 =	vmul.f32 $6.293845170e-01, v4;
	[tilespmem:s12+$0x70A0] =	vst v0;
	v0 =	vadd.f32 v1, v5;
	v5 =	vmul.f32 $3.706154820e-01, v9  }
0x68: {  	s14 =	smul.u32 $0xAB, s7;
	s5 =	sand.u32 $0x1F, s5;
	v1 =	vld [tilespmem:s12+$0xF0]  }
0x69: {  	v2 =	vmul.f32 $3.706154820e-01, v2;
	[tilespmem:s12+$0x70B0] =	vst v0;
	v0 =	vadd.f32 v4, v5;
	v4 =	vld [tilespmem:s12+$0x480];
	v5 =	vmul.f32 $6.293845170e-01, v6  }
0x6a: {  	s5 =	smul.u32 $0xC, s5;
	v6 =	vld [tilespmem:s12+$0x3C80]  }
0x6b: {  	[tilespmem:s12+$0x70C0] =	vst v0;
	v0 =	vadd.f32 v5, v2;
	v5 =	vld [tilespmem:s12+$0x490];
	v2 =	vmul.f32 $3.706154820e-01, v3;
	v3 =	vmul.f32 $6.293845170e-01, v7  }
0x6c: {  	s25 =	sshrl.u32 s14, $0xA;
	s9 =	sshll.u32 s7, $0x1;
	v7 =	vld [tilespmem:s12+$0x3C90]  }
0x6d: {  	s10 =	sand.u32 $0x3F, s25;
	s5 =	ssub.s32 s9, s5;
	v9 =	vld [tilespmem:s12+$0x4A0];
	v1 =	vmul.f32 $3.706154820e-01, v1;
	v2 =	vadd.f32 v3, v2;
	v3 =	vmul.f32 $6.293845170e-01, v8  }
0x6e: {  	s11 =	smul.u32 $0x2A0, s10;
	s5 =	sand.u32 $0xFE, s5;
	[tilespmem:s12+$0x70D0] =	vst v0;
	v0 =	vld [tilespmem:s12+$0x3CA0]  }
0x6f: {  	s10 =	simm.s32 $0x80;
	s13 =	simm.s32 $0x100;
	v4 =	vmul.f32 $3.706154820e-01, v4;
	v6 =	vmul.f32 $6.293845170e-01, v6;
	[tilespmem:s12+$0x70E0] =	vst v2;
	v3 =	vadd.f32 v3, v1;
	v2 =	vld [tilespmem:s12+$0x4B0]  }
0x70: {  	s25 =	sand.u32 $0x380, s10;
	s14 =	sand.u32 $0x3800, s13;
	s5 =	smul.u32 $0x38, s5;
	v1 =	vld [tilespmem:s12+$0x3CB0]  }
0x71: {  	s11 =	sadd.s32 s8, s11;
	v7 =	vmul.f32 $6.293845170e-01, v7;
	v5 =	vmul.f32 $3.706154820e-01, v5;
	v8 =	vadd.f32 v6, v4;
	[tilespmem:s12+$0x70F0] =	vst v3;
	v3 =	vld [tilespmem:s12+$0x4C0]  }
0x72: {  	s13 =	sadd.s32 s5, s11;
	s5 =	sor.u32 s25, s14;
	s14 =	simm.s32 $0x200;
	v6 =	vmul.f32 $3.706154820e-01, v9;
	v4 =	vld [tilespmem:s12+$0x3CC0]  }
.LBB2_3:
0x73: {  	p2 =	sne.s32 s14, $0x3700;
	v9 =	vld [tilespmem:s5+$0x4D0];
	[tilespmem:s12+$0x7480] =	vst v8;
	v5 =	vadd.f32 v7, v5;
	v0 =	vmul.f32 $6.293845170e-01, v0  }
0x74: {  	v7 =	vld [tilespmem:s5+$0x3CD0];
	v2 =	vmul.f32 $3.706154820e-01, v2  }
0x75: {  	v8 =	vld [tilespmem:s5+$0x80];
	[tilespmem:s12+$0x7490] =	vst v5;
	v0 =	vadd.f32 v0, v6;
	v1 =	vmul.f32 $6.293845170e-01, v1  }
0x76: {  	v5 =	vld [tilespmem:s5+$0x3880];
	v3 =	vmul.f32 $3.706154820e-01, v3  }
0x77: {  	v6 =	vld [tilespmem:s5+$0x90];
	[tilespmem:s12+$0x74A0] =	vst v0;
	v0 =	vadd.f32 v1, v2;
	v1 =	vmul.f32 $6.293845170e-01, v4  }
0x78: {  	v2 =	vld [tilespmem:s5+$0x3890]  }
0x79: {  	v9 =	vmul.f32 $3.706154820e-01, v9;
	v4 =	vld [tilespmem:s5+$0xA0];
	v7 =	vmul.f32 $6.293845170e-01, v7;
	[tilespmem:s12+$0x74B0] =	vst v0;
	v0 =	vadd.f32 v1, v3  }
0x7a: {  	v1 =	vmul.f32 $3.706154820e-01, v8;
	v3 =	vld [tilespmem:s5+$0x38A0]  }
0x7b: {  	v5 =	vmul.f32 $6.293845170e-01, v5;
	v8 =	vld [tilespmem:s5+$0xB0];
	v7 =	vadd.f32 v7, v9;
	[tilespmem:s12+$0x74C0] =	vst v0;
	s12 =	smov.u32 s5  }
0x7c: {  	v0 =	vmul.f32 $3.706154820e-01, v6;
	v6 =	vld [tilespmem:s12+$0x38B0]  }
0x7d: {  	v1 =	vadd.f32 v5, v1;
	v2 =	vmul.f32 $6.293845170e-01, v2;
	v5 =	vld [tilespmem:s12+$0xC0];
	[tilespmem:s12+$0x74D0] =	vst v7  }
0x7e: {  	v4 =	vmul.f32 $3.706154820e-01, v4;
	v7 =	vld [tilespmem:s12+$0x38C0]  }
0x7f: {  	[tilespmem:s12+$0x7080] =	vst v1;
	v0 =	vadd.f32 v2, v0;
	v1 =	vmul.f32 $6.293845170e-01, v3;
	v2 =	vld [tilespmem:s12+$0xD0]  }
0x80: {  	v3 =	vmul.f32 $3.706154820e-01, v8;
	v8 =	vld [tilespmem:s12+$0x38D0]  }
0x81: {  	[tilespmem:s12+$0x7090] =	vst v0;
	v0 =	vadd.f32 v1, v4;
	v1 =	vmul.f32 $6.293845170e-01, v6;
	v4 =	vld [tilespmem:s12+$0xE0]  }
0x82: {  	v5 =	vmul.f32 $3.706154820e-01, v5;
	v6 =	vld [tilespmem:s12+$0x38E0]  }
0x83: {  	[tilespmem:s12+$0x70A0] =	vst v0;
	v0 =	vadd.f32 v1, v3;
	v1 =	vmul.f32 $6.293845170e-01, v7;
	v3 =	vld [tilespmem:s12+$0xF0]  }
0x84: {  	v2 =	vmul.f32 $3.706154820e-01, v2;
	v7 =	vld [tilespmem:s12+$0x38F0]  }
0x85: {  	[tilespmem:s12+$0x70B0] =	vst v0;
	v0 =	vadd.f32 v1, v5;
	v1 =	vmul.f32 $6.293845170e-01, v8;
	v5 =	vld [tilespmem:s12+$0x480]  }
0x86: {  	v4 =	vmul.f32 $3.706154820e-01, v4;
	v8 =	vld [tilespmem:s12+$0x3C80]  }
0x87: {  	[tilespmem:s12+$0x70C0] =	vst v0;
	v0 =	vadd.f32 v1, v2;
	v1 =	vmul.f32 $6.293845170e-01, v6;
	v6 =	vld [tilespmem:s12+$0x490]  }
0x88: {  	v2 =	vmul.f32 $3.706154820e-01, v3;
	v3 =	vld [tilespmem:s12+$0x3C90]  }
0x89: {  	[tilespmem:s12+$0x70D0] =	vst v0;
	v1 =	vadd.f32 v1, v4;
	v4 =	vmul.f32 $6.293845170e-01, v7;
	v9 =	vld [tilespmem:s12+$0x4A0]  }
.Ltmp2:
0x8a: {  	v7 =	vmul.f32 $3.706154820e-01, v5;
	v0 =	vld [tilespmem:s12+$0x3CA0];
	(pc) =	sbr.rel @p2 .LBB2_3-.Ltmp2, $4  }
0x8b: {  	[tilespmem:s12+$0x70E0] =	vst v1;
	v4 =	vadd.f32 v4, v2;
	v8 =	vmul.f32 $6.293845170e-01, v8;
	v2 =	vld [tilespmem:s12+$0x4B0]  }
0x8c: {  	s10 =	sadd.s32 $0x80, s10;
	v5 =	vmul.f32 $3.706154820e-01, v6;
	v1 =	vld [tilespmem:s12+$0x3CB0]  }
0x8d: {  	s25 =	sand.u32 $0x380, s10;
	s5 =	sand.u32 $0x3800, s14;
	[tilespmem:s12+$0x70F0] =	vst v4;
	v8 =	vadd.f32 v8, v7;
	v7 =	vmul.f32 $6.293845170e-01, v3;
	v3 =	vld [tilespmem:s12+$0x4C0]  }
0x8e: {  	s14 =	sadd.s32 $0x100, s14;
	s5 =	sor.u32 s25, s5;
	v6 =	vmul.f32 $3.706154820e-01, v9;
	v4 =	vld [tilespmem:s12+$0x3CC0]  }
0x8f: {  	v9 =	vld [tilespmem:s5+$0x4D0];
	[tilespmem:s12+$0x7480] =	vst v8;
	v5 =	vadd.f32 v7, v5;
	v0 =	vmul.f32 $6.293845170e-01, v0  }
0x90: {  	v7 =	vld [tilespmem:s5+$0x3CD0]  }
0x91: {  	v8 =	vld [tilespmem:s5+$0x80];
	v2 =	vmul.f32 $3.706154820e-01, v2;
	[tilespmem:s12+$0x7490] =	vst v5;
	v0 =	vadd.f32 v0, v6;
	v1 =	vmul.f32 $6.293845170e-01, v1  }
0x92: {  	v5 =	vld [tilespmem:s5+$0x3880]  }
0x93: {  	v6 =	vld [tilespmem:s5+$0x90];
	[tilespmem:s12+$0x74A0] =	vst v0;
	v0 =	vadd.f32 v1, v2;
	v2 =	vmul.f32 $3.706154820e-01, v3;
	v3 =	vmul.f32 $6.293845170e-01, v4  }
0x94: {  	v1 =	vld [tilespmem:s5+$0x3890]  }
0x95: {  	v4 =	vld [tilespmem:s5+$0xA0];
	[tilespmem:s12+$0x74B0] =	vst v0;
	v0 =	vadd.f32 v3, v2;
	v3 =	vmul.f32 $3.706154820e-01, v9;
	v7 =	vmul.f32 $6.293845170e-01, v7  }
0x96: {  	v2 =	vld [tilespmem:s5+$0x38A0]  }
0x97: {  	v9 =	vld [tilespmem:s5+$0xB0];
	[tilespmem:s12+$0x74C0] =	vst v0;
	v0 =	vmul.f32 $3.706154820e-01, v8;
	v5 =	vmul.f32 $6.293845170e-01, v5;
	v3 =	vadd.f32 v7, v3  }
0x98: {  	v7 =	vld [tilespmem:s5+$0x38B0]  }
0x99: {  	v8 =	vld [tilespmem:s5+$0xC0];
	v0 =	vadd.f32 v5, v0;
	[tilespmem:s5+$0x74D0] =	vst v3;
	v3 =	vmul.f32 $3.706154820e-01, v6;
	v1 =	vmul.f32 $6.293845170e-01, v1  }
0x9a: {  	v5 =	vld [tilespmem:s5+$0x38C0]  }
0x9b: {  	[tilespmem:s5+$0x7080] =	vst v0;
	v0 =	vadd.f32 v1, v3;
	v1 =	vld [tilespmem:s5+$0xD0];
	v3 =	vmul.f32 $3.706154820e-01, v4;
	v2 =	vmul.f32 $6.293845170e-01, v2  }
0x9c: {  	v4 =	vld [tilespmem:s5+$0x38D0]  }
0x9d: {  	[tilespmem:s5+$0x7090] =	vst v0;
	v0 =	vadd.f32 v2, v3;
	v2 =	vld [tilespmem:s5+$0xE0]  }
0x9e: {  	v3 =	vmul.f32 $3.706154820e-01, v9;
	v6 =	vmul.f32 $6.293845170e-01, v7;
	v7 =	vld [tilespmem:s5+$0x38E0]  }
0x9f: {  	v9 =	vld [tilespmem:s5+$0x3CC0]  }
0xa0: {  	v5 =	vmul.f32 $6.293845170e-01, v5;
	[tilespmem:s5+$0x70A0] =	vst v0;
	v0 =	vadd.f32 v6, v3;
	v3 =	vld [tilespmem:s5+$0xF0];
	v6 =	vmul.f32 $3.706154820e-01, v8  }
0xa1: {  	v8 =	vld [tilespmem:s5+$0x38F0]  }
0xa2: {  	v1 =	vmul.f32 $3.706154820e-01, v1;
	v4 =	vmul.f32 $6.293845170e-01, v4;
	[tilespmem:s5+$0x70B0] =	vst v0;
	v0 =	vadd.f32 v5, v6;
	v5 =	vld [tilespmem:s5+$0x480]  }
0xa3: {  	v6 =	vld [tilespmem:s5+$0x3C80]  }
0xa4: {  	v2 =	vmul.f32 $3.706154820e-01, v2;
	[tilespmem:s5+$0x70C0] =	vst v0;
	v0 =	vadd.f32 v4, v1;
	v1 =	vld [tilespmem:s5+$0x490];
	v4 =	vmul.f32 $6.293845170e-01, v7  }
0xa5: {  	v7 =	vld [tilespmem:s5+$0x3C90]  }
0xa6: {  	v3 =	vmul.f32 $3.706154820e-01, v3;
	[tilespmem:s5+$0x70D0] =	vst v0;
	v0 =	vadd.f32 v4, v2;
	v2 =	vld [tilespmem:s5+$0x4A0];
	v4 =	vmul.f32 $6.293845170e-01, v8  }
0xa7: {  	v8 =	vld [tilespmem:s5+$0x3CA0]  }
0xa8: {  	[tilespmem:s5+$0x70E0] =	vst v0;
	v0 =	vadd.f32 v4, v3;
	v3 =	vld [tilespmem:s5+$0x4B0]  }
0xa9: {  	v4 =	vld [tilespmem:s5+$0x3CB0]  }
0xaa: {  	[tilespmem:s5+$0x70F0] =	vst v0;
	v0 =	vld [tilespmem:s5+$0x4C0]  }
0xab: {  	v5 =	vmul.f32 $3.706154820e-01, v5;
	v6 =	vmul.f32 $6.293845170e-01, v6  }
0xac: {  	v1 =	vmul.f32 $3.706154820e-01, v1;
	v7 =	vmul.f32 $6.293845170e-01, v7  }
0xad: {  	v5 =	vadd.f32 v6, v5;
	v2 =	vmul.f32 $3.706154820e-01, v2;
	v6 =	vmul.f32 $6.293845170e-01, v8  }
0xae: {  	v1 =	vadd.f32 v7, v1;
	v3 =	vmul.f32 $3.706154820e-01, v3;
	v4 =	vmul.f32 $6.293845170e-01, v4  }
0xaf: {  	[tilespmem:s5+$0x7480] =	vst v5;
	v5 =	vmul.f32 $6.293845170e-01, v9;
	v2 =	vadd.f32 v6, v2;
	v0 =	vmul.f32 $3.706154820e-01, v0  }
0xb0: {  	[tilespmem:s5+$0x7490] =	vst v1;
	v1 =	vadd.f32 v4, v3  }
0xb1: {  	[tilespmem:s5+$0x74A0] =	vst v2;
	v0 =	vadd.f32 v5, v0  }
0xb2: {  	s10 =	sshll.u32 s13, $0x5;
	p2 =	seq.s32 s7, $0x2F;
	[tilespmem:s5+$0x74B0] =	vst v1  }
0xb3: {  	s13 =	smov.u32 s31;
	s12 =	sadd.s32 s6, s10;
	[tilespmem:s5+$0x74C0] =	vst v0;
	s5 =	sadd.s32 @!p2 $0xFFFFFFF6, s9  }
0xb4: {  	[hbm4b:s12+s3] =	stream.linear.scatter [tilespmem:s21], [sflag:$0x3], $0x3800, $0x38;
	[tilespmem:$0x19180] =	vst v63  }
0xb5: {  	p3 =	slt.u32 @!p2 s5, $0xC;
	s5 =	sadd.s32 @!p2 $0xFFFFFFEA, s9;
	s12 =	smov.u32 s30  }
0xb6: {  	p3 =	por !p3, p2;
	p4 =	slt.u32 @!p2 s5, $0xC;
	s5 =	sadd.s32 @!p2 $0xFFFFFFDE, s9  }
0xb7: {  	s12 =	smov.u32 @p3 s29;
	p3 =	por !p4, p2;
	p4 =	slt.u32 @!p2 s5, $0xC  }
0xb8: {  	s5 =	smov.u32 s0;
	s13 =	smov.u32 @p3 s12;
	p3 =	por !p4, p2  }
0xb9: {  	s10 =	sadd.s32 @!p2 $0x2, s9;
	s12 =	sadd.s32 @!p2 $0xFFFFFFD2, s9;
	s5 =	smov.u32 @p3 s13  }
0xba: {  	p3 =	slt.u32 @!p2 s12, $0xC;
	s12 =	sadd.s32 @!p2 $0xFFFFFFC6, s9;
	s13 =	smov.u32 s2  }
0xbb: {  	p3 =	por !p3, p2;
	p4 =	slt.u32 @!p2 s12, $0xC;
	s12 =	smulhi.u32 @!p2 $0x2AAAAAAB, s10  }
0xbc: {  	s13 =	smov.u32 @p3 s5;
	p3 =	por !p4, p2;
	s5 =	smov.u32 s15  }
0xbd: {  	s14 =	sadd.s32 @!p2 $0xFFFFFFBA, s9;
	s5 =	smov.u32 @p3 s13  }
0xbe: {  	p3 =	slt.u32 @!p2 s14, $0xC;
	s12 =	sshrl.u32 @!p2 s12, $0x1;
	s13 =	smov.u32 s16  }
0xbf: {  	s14 =	sadd.s32 @!p2 $0xFFFFFFAE, s9;
	p3 =	por !p3, p2;
	s25 =	smul.u32 @!p2 $0xC, s12  }
0xc0: {  	s12 =	smul.u32 @!p2 $0x2A0, s12;
	s13 =	smov.u32 @p3 s5;
	p3 =	slt.u32 @!p2 s14, $0xC  }
0xc1: {  	s5 =	smov.u32 s1;
	p3 =	por !p3, p2;
	s10 =	ssub.s32 @!p2 s10, s25  }
0xc2: {  	s5 =	smov.u32 @p3 s13;
	s10 =	smul.u32 @!p2 $0x38, s10  }
0xc3: {  	s12 =	sadd.s32 @!p2 s8, s12;
	s5 =	smul.u32 @!p2 $0x2A0, s5  }
0xc4: {  	s12 =	sadd.s32 @!p2 s10, s12  }
0xc5: {  	s13 =	simm.s32 @!p2 $0x80;
	s5 =	sadd.s32 @!p2 s10, s5;
	s10 =	sshll.u32 @!p2 s12, $0x5  }
0xc6: {  	s12 =	simm.s32 @!p2 $0x0;
	s10 =	sadd.s32 @!p2 s4, s10;
	s5 =	sshll.u32 @!p2 s5, $0x5  }
0xc7: {  	[tilespmem:s13], [sflag:$0x1] =	stream.linear.gather @!p2 [hbm4b:s10+s12], $0x3800, $0x38;
	[tilespmem:$0x19180] =	vst v63  }
0xc8: {  	s5 =	sadd.s32 @!p2 s4, s5;
	s10 =	simm.s32 @!p2 $0x3880  }
0xc9: {  	[tilespmem:s10], [sflag:$0x2] =	stream.linear.gather @!p2 [hbm4b:s5+s12], $0x3800, $0x38;
	[tilespmem:$0x19180] =	vst v63  }
0xca: {  	_ =	swait.ge [sflag:s22], $0x3800  }
0xcb: {  	[sflag:s22] =	ssyncset.done $0x0  }
0xcc: {  	[sflag:s22] =	ssyncadd.s32 $0xFFFFC800  }
0xcd: {  	_ =	swait.ge [sflag:s23], $0x3800  }
0xce: {  	[sflag:s23] =	ssyncset.done $0x0  }
0xcf: {  	s5 =	simm.s32 @!p1 $0x6;
	[sflag:s23] =	ssyncadd.s32 $0xFFFFC800  }
0xd0: {  	s13 =	simm.s32 $0x0;
	_ =	swait.ge @!p1 [sflag:s5], $0x3800  }
0xd1: {  	s14 =	sand.u32 $0x3800, s13;
	s10 =	sand.u32 $0x380, s13;
	[sflag:s5] =	ssyncset.done @!p1 $0x0  }
0xd2: {  	s12 =	sor.u32 s10, s14;
	[sflag:s5] =	ssyncadd.s32 @!p1 $0xFFFFC800  }
0xd3: {  	v0 =	vld [tilespmem:s12+$0xACD0]  }
0xd4: {  	v1 =	vld [tilespmem:s12+$0xE4D0]  }
0xd5: {  	v2 =	vld [tilespmem:s12+$0xA880]  }
0xd6: {  	v3 =	vld [tilespmem:s12+$0xE080]  }
0xd7: {  	v4 =	vld [tilespmem:s12+$0xA890]  }
0xd8: {  	v5 =	vld [tilespmem:s12+$0xE090]  }
0xd9: {  	v6 =	vld [tilespmem:s12+$0xA8A0];
	v0 =	vmul.f32 $3.706154820e-01, v0;
	v1 =	vmul.f32 $6.293845170e-01, v1  }
0xda: {  	v7 =	vld [tilespmem:s12+$0xE0A0]  }
0xdb: {  	v8 =	vld [tilespmem:s12+$0xA8B0];
	v2 =	vmul.f32 $3.706154820e-01, v2;
	v3 =	vmul.f32 $6.293845170e-01, v3;
	v0 =	vadd.f32 v1, v0  }
0xdc: {  	v1 =	vld [tilespmem:s12+$0xE0B0]  }
0xdd: {  	v9 =	vld [tilespmem:s12+$0xA8C0];
	v2 =	vadd.f32 v3, v2;
	v3 =	vmul.f32 $6.293845170e-01, v5;
	[tilespmem:s12+$0x11CD0] =	vst v0;
	v0 =	vmul.f32 $3.706154820e-01, v4  }
0xde: {  	v4 =	vld [tilespmem:s12+$0xE0C0]  }
0xdf: {  	v5 =	vmul.f32 $6.293845170e-01, v7;
	[tilespmem:s12+$0x11880] =	vst v2;
	v2 =	vld [tilespmem:s12+$0xA8D0];
	v0 =	vadd.f32 v3, v0;
	v3 =	vmul.f32 $3.706154820e-01, v6  }
0xe0: {  	v6 =	vld [tilespmem:s12+$0xE0D0]  }
0xe1: {  	v7 =	vld [tilespmem:s12+$0xE0E0];
	v1 =	vmul.f32 $6.293845170e-01, v1;
	[tilespmem:s12+$0x11890] =	vst v0;
	v0 =	vadd.f32 v5, v3;
	v5 =	vmul.f32 $3.706154820e-01, v8  }
0xe2: {  	v3 =	vld [tilespmem:s12+$0xA8E0]  }
0xe3: {  	v8 =	vld [tilespmem:s12+$0xE0F0];
	v4 =	vmul.f32 $6.293845170e-01, v4;
	[tilespmem:s12+$0x118A0] =	vst v0;
	v0 =	vadd.f32 v1, v5;
	v5 =	vmul.f32 $3.706154820e-01, v9  }
0xe4: {  	v1 =	vld [tilespmem:s12+$0xA8F0]  }
0xe5: {  	s25 =	sor.u32 $0x1, s9;
	v2 =	vmul.f32 $3.706154820e-01, v2;
	[tilespmem:s12+$0x118B0] =	vst v0;
	v0 =	vadd.f32 v4, v5;
	v4 =	vld [tilespmem:s12+$0xAC80];
	v5 =	vmul.f32 $6.293845170e-01, v6  }
0xe6: {  	s13 =	smulhi.u32 $0x2AAAAAAB, s25;
	v6 =	vld [tilespmem:s12+$0xE480]  }
0xe7: {  	[tilespmem:s12+$0x118C0] =	vst v0;
	v0 =	vadd.f32 v5, v2;
	v5 =	vld [tilespmem:s12+$0xAC90];
	v2 =	vmul.f32 $3.706154820e-01, v3;
	v3 =	vmul.f32 $6.293845170e-01, v7  }
0xe8: {  	s10 =	sshrl.u32 s13, $0x1;
	v7 =	vld [tilespmem:s12+$0xE490]  }
0xe9: {  	s10 =	smul.u32 $0xC, s10;
	v9 =	vld [tilespmem:s12+$0xACA0];
	v1 =	vmul.f32 $3.706154820e-01, v1;
	v2 =	vadd.f32 v3, v2;
	v3 =	vmul.f32 $6.293845170e-01, v8  }
0xea: {  	[tilespmem:s12+$0x118D0] =	vst v0;
	v0 =	vld [tilespmem:s12+$0xE4A0]  }
0xeb: {  	s14 =	simm.s32 $0x100;
	s5 =	ssub.s32 s25, s10;
	s10 =	simm.s32 $0x80;
	v4 =	vmul.f32 $3.706154820e-01, v4;
	v6 =	vmul.f32 $6.293845170e-01, v6;
	[tilespmem:s12+$0x118E0] =	vst v2;
	v3 =	vadd.f32 v3, v1;
	v2 =	vld [tilespmem:s12+$0xACB0]  }
0xec: {  	s13 =	sand.u32 $0x3800, s14;
	s5 =	smul.u32 $0x38, s5;
	s25 =	sand.u32 $0x380, s10;
	v1 =	vld [tilespmem:s12+$0xE4B0]  }
0xed: {  	v7 =	vmul.f32 $6.293845170e-01, v7;
	v5 =	vmul.f32 $3.706154820e-01, v5;
	v8 =	vadd.f32 v6, v4;
	[tilespmem:s12+$0x118F0] =	vst v3;
	v3 =	vld [tilespmem:s12+$0xACC0]  }
0xee: {  	s11 =	sadd.s32 s5, s11;
	s5 =	sor.u32 s25, s13;
	s13 =	simm.s32 $0x200;
	v6 =	vmul.f32 $3.706154820e-01, v9;
	v4 =	vld [tilespmem:s12+$0xE4C0]  }
.LBB2_5:
0xef: {  	p1 =	sne.s32 s13, $0x3700;
	v9 =	vld [tilespmem:s5+$0xACD0];
	[tilespmem:s12+$0x11C80] =	vst v8;
	v5 =	vadd.f32 v7, v5;
	v0 =	vmul.f32 $6.293845170e-01, v0  }
0xf0: {  	v7 =	vld [tilespmem:s5+$0xE4D0];
	v2 =	vmul.f32 $3.706154820e-01, v2  }
0xf1: {  	v8 =	vld [tilespmem:s5+$0xA880];
	[tilespmem:s12+$0x11C90] =	vst v5;
	v0 =	vadd.f32 v0, v6;
	v1 =	vmul.f32 $6.293845170e-01, v1  }
0xf2: {  	v5 =	vld [tilespmem:s5+$0xE080];
	v3 =	vmul.f32 $3.706154820e-01, v3  }
0xf3: {  	v6 =	vld [tilespmem:s5+$0xA890];
	[tilespmem:s12+$0x11CA0] =	vst v0;
	v0 =	vadd.f32 v1, v2;
	v1 =	vmul.f32 $6.293845170e-01, v4  }
0xf4: {  	v2 =	vld [tilespmem:s5+$0xE090]  }
0xf5: {  	v9 =	vmul.f32 $3.706154820e-01, v9;
	v4 =	vld [tilespmem:s5+$0xA8A0];
	v7 =	vmul.f32 $6.293845170e-01, v7;
	[tilespmem:s12+$0x11CB0] =	vst v0;
	v0 =	vadd.f32 v1, v3  }
0xf6: {  	v1 =	vmul.f32 $3.706154820e-01, v8;
	v3 =	vld [tilespmem:s5+$0xE0A0]  }
0xf7: {  	v5 =	vmul.f32 $6.293845170e-01, v5;
	v8 =	vld [tilespmem:s5+$0xA8B0];
	v7 =	vadd.f32 v7, v9;
	[tilespmem:s12+$0x11CC0] =	vst v0;
	s12 =	smov.u32 s5  }
0xf8: {  	v0 =	vmul.f32 $3.706154820e-01, v6;
	v6 =	vld [tilespmem:s12+$0xE0B0]  }
0xf9: {  	v1 =	vadd.f32 v5, v1;
	v2 =	vmul.f32 $6.293845170e-01, v2;
	v5 =	vld [tilespmem:s12+$0xA8C0];
	[tilespmem:s12+$0x11CD0] =	vst v7  }
0xfa: {  	v4 =	vmul.f32 $3.706154820e-01, v4;
	v7 =	vld [tilespmem:s12+$0xE0C0]  }
0xfb: {  	[tilespmem:s12+$0x11880] =	vst v1;
	v0 =	vadd.f32 v2, v0;
	v1 =	vmul.f32 $6.293845170e-01, v3;
	v2 =	vld [tilespmem:s12+$0xA8D0]  }
0xfc: {  	v3 =	vmul.f32 $3.706154820e-01, v8;
	v8 =	vld [tilespmem:s12+$0xE0D0]  }
0xfd: {  	[tilespmem:s12+$0x11890] =	vst v0;
	v0 =	vadd.f32 v1, v4;
	v1 =	vmul.f32 $6.293845170e-01, v6;
	v4 =	vld [tilespmem:s12+$0xA8E0]  }
0xfe: {  	v5 =	vmul.f32 $3.706154820e-01, v5;
	v6 =	vld [tilespmem:s12+$0xE0E0]  }
0xff: {  	[tilespmem:s12+$0x118A0] =	vst v0;
	v0 =	vadd.f32 v1, v3;
	v1 =	vmul.f32 $6.293845170e-01, v7;
	v3 =	vld [tilespmem:s12+$0xA8F0]  }
0x100: {  	v2 =	vmul.f32 $3.706154820e-01, v2;
	v7 =	vld [tilespmem:s12+$0xE0F0]  }
0x101: {  	[tilespmem:s12+$0x118B0] =	vst v0;
	v0 =	vadd.f32 v1, v5;
	v1 =	vmul.f32 $6.293845170e-01, v8;
	v5 =	vld [tilespmem:s12+$0xAC80]  }
0x102: {  	v4 =	vmul.f32 $3.706154820e-01, v4;
	v8 =	vld [tilespmem:s12+$0xE480]  }
0x103: {  	[tilespmem:s12+$0x118C0] =	vst v0;
	v0 =	vadd.f32 v1, v2;
	v1 =	vmul.f32 $6.293845170e-01, v6;
	v6 =	vld [tilespmem:s12+$0xAC90]  }
0x104: {  	v2 =	vmul.f32 $3.706154820e-01, v3;
	v3 =	vld [tilespmem:s12+$0xE490]  }
0x105: {  	[tilespmem:s12+$0x118D0] =	vst v0;
	v1 =	vadd.f32 v1, v4;
	v4 =	vmul.f32 $6.293845170e-01, v7;
	v9 =	vld [tilespmem:s12+$0xACA0]  }
.Ltmp3:
0x106: {  	v7 =	vmul.f32 $3.706154820e-01, v5;
	v0 =	vld [tilespmem:s12+$0xE4A0];
	(pc) =	sbr.rel @p1 .LBB2_5-.Ltmp3, $4  }
0x107: {  	[tilespmem:s12+$0x118E0] =	vst v1;
	v4 =	vadd.f32 v4, v2;
	v8 =	vmul.f32 $6.293845170e-01, v8;
	v2 =	vld [tilespmem:s12+$0xACB0]  }
0x108: {  	s10 =	sadd.s32 $0x80, s10;
	v5 =	vmul.f32 $3.706154820e-01, v6;
	v1 =	vld [tilespmem:s12+$0xE4B0]  }
0x109: {  	s14 =	sand.u32 $0x380, s10;
	s5 =	sand.u32 $0x3800, s13;
	[tilespmem:s12+$0x118F0] =	vst v4;
	v8 =	vadd.f32 v8, v7;
	v7 =	vmul.f32 $6.293845170e-01, v3;
	v3 =	vld [tilespmem:s12+$0xACC0]  }
0x10a: {  	s13 =	sadd.s32 $0x100, s13;
	s5 =	sor.u32 s14, s5;
	v6 =	vmul.f32 $3.706154820e-01, v9;
	v4 =	vld [tilespmem:s12+$0xE4C0]  }
0x10b: {  	v9 =	vld [tilespmem:s5+$0xACD0];
	[tilespmem:s12+$0x11C80] =	vst v8;
	v5 =	vadd.f32 v7, v5;
	v0 =	vmul.f32 $6.293845170e-01, v0  }
0x10c: {  	v16 =	vld [tilespmem:s5+$0xE4D0]  }
0x10d: {  	v8 =	vld [tilespmem:s5+$0xA880];
	v2 =	vmul.f32 $3.706154820e-01, v2;
	[tilespmem:s12+$0x11C90] =	vst v5;
	v0 =	vadd.f32 v0, v6;
	v1 =	vmul.f32 $6.293845170e-01, v1  }
0x10e: {  	v5 =	vld [tilespmem:s5+$0xE080]  }
0x10f: {  	v17 =	vld [tilespmem:s5+$0xA890];
	v20 =	vmul.f32 $3.706154820e-01, v3;
	[tilespmem:s12+$0x11CA0] =	vst v0;
	v18 =	vadd.f32 v1, v2;
	v21 =	vmul.f32 $6.293845170e-01, v4  }
0x110: {  	v19 =	vld [tilespmem:s5+$0xE090]  }
0x111: {  	v22 =	vld [tilespmem:s5+$0xA8A0];
	[tilespmem:s12+$0x11CB0] =	vst v18;
	v23 =	vadd.f32 v21, v20  }
0x112: {  	v24 =	vld [tilespmem:s5+$0xE0A0]  }
0x113: {  	v26 =	vld [tilespmem:s5+$0xA8B0];
	[tilespmem:s12+$0x11CC0] =	vst v23  }
0x114: {  	v28 =	vld [tilespmem:s5+$0xE0B0]  }
0x115: {  	v29 =	vld [tilespmem:s5+$0xA8C0]  }
0x116: {  	v31 =	vld [tilespmem:s5+$0xE0C0]  }
0x117: {  	v33 =	vld [tilespmem:s5+$0xA8D0]  }
0x118: {  	v35 =	vld [tilespmem:s5+$0xE0D0]  }
0x119: {  	v37 =	vld [tilespmem:s5+$0xA8E0]  }
0x11a: {  	v40 =	vld [tilespmem:s5+$0xE0E0]  }
0x11b: {  	v42 =	vld [tilespmem:s5+$0xA8F0]  }
0x11c: {  	v44 =	vld [tilespmem:s5+$0xE0F0]  }
0x11d: {  	v46 =	vld [tilespmem:s5+$0xAC80]  }
0x11e: {  	v25 =	vmul.f32 $3.706154820e-01, v9;
	v7 =	vmul.f32 $6.293845170e-01, v16;
	v47 =	vld [tilespmem:s5+$0xE480]  }
0x11f: {  	v27 =	vmul.f32 $3.706154820e-01, v8;
	v5 =	vmul.f32 $6.293845170e-01, v5;
	v49 =	vld [tilespmem:s5+$0xAC90]  }
0x120: {  	v3 =	vadd.f32 v7, v25;
	v30 =	vmul.f32 $3.706154820e-01, v17;
	v51 =	vld [tilespmem:s5+$0xE490];
	v1 =	vmul.f32 $6.293845170e-01, v19  }
0x121: {  	v59 =	vld [tilespmem:s5+$0xACC0];
	v0 =	vadd.f32 v5, v27;
	v34 =	vmul.f32 $3.706154820e-01, v22;
	v2 =	vmul.f32 $6.293845170e-01, v24  }
0x122: {  	v60 =	vld [tilespmem:s5+$0xE4C0];
	[tilespmem:s5+$0x11CD0] =	vst v3;
	v32 =	vadd.f32 v1, v30;
	v38 =	vmul.f32 $3.706154820e-01, v26;
	v39 =	vmul.f32 $6.293845170e-01, v28  }
0x123: {  	v53 =	vld [tilespmem:s5+$0xACA0];
	[tilespmem:s5+$0x11880] =	vst v0;
	v36 =	vadd.f32 v2, v34;
	v43 =	vmul.f32 $3.706154820e-01, v29;
	v5 =	vmul.f32 $6.293845170e-01, v31  }
0x124: {  	v55 =	vld [tilespmem:s5+$0xE4A0];
	[tilespmem:s5+$0x11890] =	vst v32;
	v1 =	vmul.f32 $3.706154820e-01, v33;
	v4 =	vmul.f32 $6.293845170e-01, v35;
	v41 =	vadd.f32 v39, v38  }
0x125: {  	v57 =	vld [tilespmem:s5+$0xACB0];
	v2 =	vmul.f32 $3.706154820e-01, v37;
	v50 =	vmul.f32 $6.293845170e-01, v40;
	[tilespmem:s5+$0x118A0] =	vst v36;
	v45 =	vadd.f32 v5, v43  }
0x126: {  	v58 =	vld [tilespmem:s5+$0xE4B0];
	v3 =	vmul.f32 $3.706154820e-01, v42;
	v54 =	vmul.f32 $6.293845170e-01, v44;
	v48 =	vadd.f32 v4, v1;
	[tilespmem:s5+$0x118B0] =	vst v41  }
0x127: {  	v0 =	vmul.f32 $3.706154820e-01, v59;
	v62 =	vmul.f32 $6.293845170e-01, v60;
	v52 =	vadd.f32 v50, v2;
	[tilespmem:s5+$0x118C0] =	vst v45  }
0x128: {  	v6 =	vmul.f32 $6.293845170e-01, v47;
	v56 =	vadd.f32 v54, v3;
	v5 =	vmul.f32 $3.706154820e-01, v46;
	[tilespmem:s5+$0x118D0] =	vst v48  }
0x129: {  	v7 =	vmul.f32 $6.293845170e-01, v51;
	v1 =	vmul.f32 $3.706154820e-01, v49;
	v0 =	vadd.f32 v62, v0;
	[tilespmem:s5+$0x118E0] =	vst v52  }
0x12a: {  	v61 =	vmul.f32 $6.293845170e-01, v55;
	v2 =	vmul.f32 $3.706154820e-01, v53;
	[tilespmem:s5+$0x118F0] =	vst v56;
	v5 =	vadd.f32 v6, v5  }
0x12b: {  	v3 =	vmul.f32 $3.706154820e-01, v57;
	v4 =	vmul.f32 $6.293845170e-01, v58;
	v1 =	vadd.f32 v7, v1;
	[tilespmem:s5+$0x11CC0] =	vst v0  }
.Ltmp4:
0x12c: {  	v2 =	vadd.f32 v61, v2;
	[tilespmem:s5+$0x11C80] =	vst v5;
	(pc) =	sbr.rel @p2 .LBB2_8-.Ltmp4, $4  }
0x12d: {  	v63 =	vadd.f32 v4, v3;
	[tilespmem:s5+$0x11C90] =	vst v1  }
0x12e: {  	s10 =	sshll.u32 s11, $0x5;
	[tilespmem:s5+$0x11CA0] =	vst v2  }
0x12f: {  	s25 =	sadd.s32 s6, s10;
	[tilespmem:s5+$0x11CB0] =	vst v63  }
0x130: {  	[hbm4b:s25+s3] =	stream.linear.scatter [tilespmem:s24], [sflag:$0x6], $0x3800, $0x38;
	[tilespmem:$0x19180] =	vst v63  }
0x131: {  	s5 =	sadd.s32 $0xFFFFFFF6, s9  }
0x132: {  	s10 =	sadd.s32 $0x3, s9;
	s11 =	sadd.s32 $0xFFFFFFEA, s9;
	s12 =	sadd.s32 $0xFFFFFFDE, s9  }
0x133: {  	s13 =	sadd.s32 $0xFFFFFFD2, s9;
	p1 =	slt.u32 s5, $0xC;
	s5 =	smov.u32 s29  }
0x134: {  	s25 =	smulhi.u32 $0x2AAAAAAB, s10;
	s5 =	smov.u32 @p1 s30;
	p1 =	slt.u32 s11, $0xC  }
0x135: {  	s14 =	sadd.s32 $0xFFFFFFC6, s9;
	p2 =	slt.u32 s13, $0xC;
	s5 =	smov.u32 @p1 s31  }
0x136: {  	p1 =	slt.u32 s12, $0xC;
	s11 =	sshrl.u32 s25, $0x1;
	s25 =	sadd.s32 $0xFFFFFFBA, s9  }
0x137: {  	s12 =	sadd.s32 $0xFFFFFFAE, s9;
	s13 =	smul.u32 $0xC, s11;
	s5 =	smov.u32 @p1 s0  }
0x138: {  	p1 =	slt.u32 s14, $0xC;
	p3 =	slt.u32 s25, $0xC;
	s5 =	smov.u32 @p2 s2  }
0x139: {  	s11 =	smul.u32 $0x2A0, s11;
	s10 =	ssub.s32 s10, s13;
	s5 =	smov.u32 @p1 s15  }
0x13a: {  	p1 =	slt.u32 s12, $0xC;
	s5 =	smov.u32 @p3 s16;
	s13 =	smul.u32 $0x38, s10  }
0x13b: {  	s14 =	sadd.s32 s8, s11;
	s5 =	smov.u32 @p1 s1  }
0x13c: {  	s5 =	smul.u32 $0x2A0, s5;
	s10 =	sadd.s32 s13, s14  }
0x13d: {  	s10 =	sshll.u32 s10, $0x5  }
.Ltmp5:
0x13e: {  	s5 =	sadd.s32 s13, s5;
	s25 =	sadd.s32 s4, s10;
	(pc) =	sbr.rel .LBB2_2-.Ltmp5, $4  }
0x13f: {  	[tilespmem:s17], [sflag:$0x4] =	stream.linear.gather [hbm4b:s25+s3], $0x3800, $0x38;
	[tilespmem:$0x19180] =	vst v63  }
0x140: {  	s5 =	sshll.u32 s5, $0x5  }
0x141: {  	s7 =	sadd.s32 $0x1, s7;
	s5 =	sadd.s32 s4, s5  }
0x142: {  	[tilespmem:s18], [sflag:$0x5] =	stream.linear.gather [hbm4b:s5+s3], $0x3800, $0x38;
	[tilespmem:$0x19180] =	vst v63  }
.LBB2_9:
0x143: {  	_ =	sfence.sel $0x180000  }
0x144: {  	[bflag:$0x0] =	sbarrier.arrive $0xFFFF  }
0x145: {  	_ =	strace $0x90000047  }
0x146: {  	s0 =	stileid.u32;
	[bflag:$0x2] =	sbarrier.arrive $0xFFFF  }
0x147: {  	p0 =	sne.s32 s0, $0x0;
	s0 =	rddreg [dreg:$0x2]  }
0x148: {  	s0 =	sadd.s32 @!p0 $0x100000, s0  }
0x149: {  	[sflag:s0] =	ssyncadd.tile.s32 @!p0 $0x1;
	_ =	shalt  }
.Lfunc_end2:
_tile_overlayer_lowered:
.L_overlay_start_2:
0x14a: {  	(tag) =	ssettag $0x2  }
0x14b: {  	s0 =	rddreg [dreg:$0x0];
	s2 =	stileid.u32  }
0x14c: {  	s1 =	rddreg [dreg:$0x1];
	p0 =	sne.s32 s2, $0x0  }
0x14d: {  	s3 =	rddreg [dreg:$0x2];
	[bflag:$0x3] =	sbarrier.arrive $0xFFFF;
	s2 =	simm.s32 @!p0 $0x1C07  }
0x14e: {  	[timem:s3], [sflag:s2] =	dma.local @!p0 [hbm:s0], s1  }
0x14f: {  	s0 =	simm.s32 @!p0 $0x7  }
0x150: {  	_ =	swait.ge @!p0 [sflag:s0], s1  }
0x151: {  	s1 =	ssub.s32 @!p0 $0x0, s1;
	[sflag:s0] =	ssyncset.done @!p0 $0x0  }
0x152: {  	[sflag:s0] =	ssyncadd.s32 @!p0 s1  }
0x153: {  	[bflag:$0x3] =	sbarrier.arrive $0xFFFF  }
0x154: {  	_ =	shalt  }

// kernel: sparse-core-data-format-call.cloned.1.call-start
scs
called_computation_lowered:
.L_overlay_start_0:
0x0: {  	s2 =	sld [smem:$0x3FD9]  }
0x1: {  	s3 =	sld [smem:$0x3FFE];
	_ =	sdelay $0x1  }
0x2: {  	s1 =	srdreg.scid  }
0x3: {  	s0 =	sand.u32 $0x1, s1  }
0x4: {  	s15 =	sshll.u32 s0, $0xA;
	s2 =	sadd.s32 s3, s2  }
0x5: {  	s2 =	sadd.s32 s2, s15  }
0x6: {  	[smem:$0x3FC5] =	sst s2  }
0x7: {  	_ = 	snop  }
0x8: {  	s2 =	sld [smem:$0x3FD0];
	_ =	sdelay $0x2  }
0x9: {  	s16 =	simm.s32 $0xA;
	s4 =	simm.s32 $0x10  }
0xa: {  	[smem:s4], [sflag:s16] =	dma.local [hbm:s2], $0x1  }
0xb: {  	_ =	swait.eq [sflag:s16], $0x1  }
0xc: {  	[sflag:s16] =	ssyncset.done $0x0  }
0xd: {  	[sflag:s16] =	ssyncadd.s32 $0xFFFFFFFF  }
0xe: {  	s17 =	sld [smem:$0x10];
	(tm) =	ssettm $0x1  }
0xf: {  	s18 =	sld [smem:$0x3FFB];
	_ =	sdelay $0x3  }
0x10: {  	_ =	strace s18  }
0x11: {  	s3 =	sld [smem:$0x3FFC];
	_ =	sdelay $0x3  }
0x12: {  	_ =	strace s3  }
0x13: {  	s3 =	sld [smem:$0x3FFD];
	_ =	sdelay $0x3  }
0x14: {  	_ =	strace s3  }
0x15: {  	_ =	strace $0x8FFFFFFF  }
0x16: {  	s19 =	sld [smem:$0x3FDB];
	_ =	sdelay $0x1  }
0x17: {  	s20 =	simm.s32 $_scs_section_size  }
0x18: {  	s5 =	simm.s32 $_size__tile_overlayer_lowered;
	s6 =	simm.s32 $_tile_overlayer_lowered  }
0x19: {  	s23 =	simm.s32 $0x1BFF;
	s22 =	sshll.u32 s6, $0x1;
	s3 =	sadd.s32 s20, s19  }
0x1a: {  	s7 =	simm.s32 $0x0;
	s21 =	sshll.u32 s5, $0x1;
	s5 =	sadd.s32 s22, s3  }
0x1b: {  	[timem:s7], [sflag:s23] =	dma.local [hbm:s5], s21  }
0x1c: {  	_ =	swait.ge [sflag:s23], s21  }
0x1d: {  	s4 =	ssub.s32 $0x0, s21;
	[sflag:s23] =	ssyncset.done $0x0  }
0x1e: {  	[sflag:s23] =	ssyncadd.s32 s4;
	_ =	sdelay $0x1  }
0x1f: {  	s24 =	simm.s32 $0x1B8B  }
0x20: {  	_ =	swait.ge [sflag:s24], $0x1  }
0x21: {  	[sflag:s24] =	ssyncset.done $0x0  }
0x22: {  	s26 =	simm.s32 $0x1B8E;
	s25 =	sld [smem:$0x3FFE];
	[sflag:s24] =	ssyncadd.s32 $0xFFFFFFFF  }
0x23: {  	s27 =	simm.s32 $execute0_lowered;
	[smem:$0x3FD2] =	sst s26  }
0x24: {  	s5 =	sshll.u32 s27, $0x1;
	_ =	strace $0x80000049;
	[dreg:$0x1] =	wrdreg $0xFFFFFFFF  }
0x25: {  	s28 =	simm.s32 $_size_execute0_lowered;
	s3 =	sadd.s32 s3, s5;
	[dreg:$0x0] =	wrdreg $0x0  }
0x26: {  	s5 =	sshll.u32 s28, $0x1;
	[dreg:$0x2] =	wrdreg s3  }
0x27: {  	[dreg:$0x3] =	wrdreg s5  }
0x28: {  	[dreg:$0x4] =	wrdreg $0xC0  }
0x29: {  	_ =	task [dreg:s7], $0x5FFFF  }
0x2a: {  	[dreg:$0x1] =	wrdreg $0xFFFFFFFF  }
0x2b: {  	[dreg:$0x0] =	wrdreg $0x60  }
0x2c: {  	[dreg:$0x2] =	wrdreg s25  }
0x2d: {  	[dreg:$0x3] =	wrdreg s17  }
0x2e: {  	[dreg:$0x4] =	wrdreg $0x9  }
0x2f: {  	_ =	task.clear_ibuf [dreg:s7], $0x5FFFF;
	_ =	strace $0x90000049  }
0x30: {  	s29 =	simm.s32 $0x9;
	_ =	strace $0x8000004B  }
0x31: {  	_ =	swait.ge [sflag:s29], $0x1  }
0x32: {  	[sflag:s29] =	ssyncadd.s32 $0xFFFFFFFF  }
0x33: {  	_ =	strace $0x9000004B  }
0x34: {  	_ =	sfence  }
0x35: {  	s30 =	sld [smem:$0x0];
	_ =	sdelay $0x2  }
0x36: {  	s31 =	sshll.u32 s1, $0xD;
	s1 =	sshrl.u32 s1, $0x2  }
0x37: {  	s3 =	sand.u32 $0x4000, s31;
	s1 =	sadd.s32 s1, s30  }
0x38: {  	s0 =	sor.u32 s3, s0;
	s1 =	sshll.u32 s1, $0x11  }
0x39: {  	s0 =	sor.u32 s1, s0  }
0x3a: {  	s0 =	sadd.s32 $0x8F2B, s0  }
0x3b: {  	[sflag:s0] =	ssyncadd.remote.s32 $0x1  }
0x3c: {  	_ =	sfence.sel $0xFFFF  }
0x3d: {  	[dreg:$0x0] =	wrdreg $0xFFFFFFFF;
	(pc) =	sbr.abs _section_cstart, $3  }
0x3e: {  	[dreg:$0x1] =	wrdreg $0xFFFFFFFF  }
0x3f: {  	_ =	task.clear_ibuf [dreg:s7], $0x2FFFF;
	_ =	strace $0x9FFFFFFF  }
0x40: {  	(tm) =	ssettm $0x7FFFFFFF  }
0x41: {  	_ =	shalt  }
tec
execute0_lowered:
.L_overlay_start_1:
0x0: {  	(tag) =	ssettag $0x1  }
0x1: {  	s0 =	stileid.u32;
	s4 =	rddreg [dreg:$0x0]  }
0x2: {  	_ =	strace $0x8000004A;
	s6 =	srdreg.scid;
	s31 =	simm.s32 $0x2  }
0x3: {  	s19 =	simm.s32 $0x0;
	p0 =	por $0x0, $0x0;
	s9 =	simm.s32 $0x800  }
0x4: {  	s21 =	simm.s32 $0x0;
	s22 =	simm.s32 $0x0;
	s20 =	simm.s32 $0x0  }
0x5: {  	s10 =	simm.s32 $0x0;
	s12 =	simm.s32 $0x0;
	s1 =	sshll.u32 s0, $0x7  }
0x6: {  	s13 =	simm.s32 $0x0;
	s14 =	simm.s32 $0x0;
	s3 =	sand.u32 $0x80, s1  }
0x7: {  	s16 =	simm.s32 $0x0;
	s18 =	simm.s32 $0x0;
	s5 =	ssub.s32 $0x100, s3  }
0x8: {  	s6 =	sshll.u32 s6, $0x4;
	s4 =	sadd.s32 $0x542200, s4;
	s7 =	sshrl.u32 s5, $0x7  }
.Ltmp0:
0x9: {  	s5 =	sshrl.u32 s5, $0x8;
	s7 =	sand.u32 $0x1, s7;
	(pc) =	sbr.rel .LBB1_1-.Ltmp0, $4  }
0xa: {  	s6 =	sand.u32 $0x10, s6;
	s1 =	simm.s32 $0x0;
	s7 =	sadd.s32 s5, s7  }
0xb: {  	s8 =	sor.u32 s0, s6;
	s5 =	simm.s32 $0x1;
	s6 =	smul.u32 $0x54, s7  }
0xc: {  	s17 =	smov.u32 s3;
	s7 =	sshrl.u32 s8, $0x1;
	[sflag:s5] =	ssyncpa.u1 $0x0  }
0xd: {  	[sflag:s31] =	ssyncpa.u1 $0x0;
	s15 =	smov.u32 s7;
	s8 =	sor.u32 $0x1, s6  }
.LBB1_4:
0xe: {  	v5 =	vld [tilespmem:s24+$0xFFFFFFD0]  }
0xf: {  	s27 =	sshra.s32 s27, $0x2;
	v58 =	vld [tilespmem:s24+$0xFFFFFFE0]  }
0x10: {  	s31 =	sshll.u32 s10, $0x8;
	p1 =	sgt.s32 s12, $0x2;
	s28 =	smov.u32 s12;
	v59 =	vld [tilespmem:s24+$0xFFFFFFF0]  }
0x11: {  	s29 =	sshra.s32 s12, $0x1F;
	s30 =	sshll.u32 s13, $0x3;
	s2 =	sshra.s32 s13, $0x1F;
	v60 =	vld [tilespmem:s24+$0x0]  }
0x12: {  	s11 =	smov.u32 s1;
	v61 =	vld [tilespmem:s24+$0x10];
	s26 =	sadd.s32 s27, s26;
	s28 =	simm.s32 @!p1 $0x2  }
0x13: {  	v62 =	vld [tilespmem:s24+$0x20];
	s29 =	sand.u32 s29, s12;
	s27 =	sand.u32 $0xFFFFF800, s31;
	s30 =	sand.u32 $0xFFFFFC00, s30  }
0x14: {  	v63 =	vld [tilespmem:s24+$0xFFFFFFC0];
	s24 =	smul.u32 $0x188000, s12;
	s28 =	ssub.s32 s28, s29;
	s27 =	sadd.s32 s30, s27  }
0x15: {  	s29 =	sshll.u32 s10, $0x7;
	s30 =	smov.u32 s13;
	s0 =	sadd.s32 $0xFFFFFFFE, s28  }
0x16: {  	s31 =	sand.u32 $0x300, s29;
	s28 =	ssub.s32 $0x3, s28;
	s29 =	sand.u32 $0x80, s29  }
0x17: {  	p1 =	sgt.s32 s0, $0x0;
	s27 =	sor.u32 s31, s27;
	s0 =	sshra.s32 s1, $0x1F  }
0x18: {  	s31 =	sand.u32 s2, s13;
	s2 =	sshra.s32 s10, $0x1F;
	s28 =	simm.s32 @p1 $0x0  }
0x19: {  	p1 =	sgt.s32 s13, $0x80;
	s27 =	sshrl.u32 s27, $0x8;
	s0 =	sand.u32 s0, s1  }
0x1a: {  	s2 =	sand.u32 s2, s10;
	s30 =	simm.s32 @!p1 $0x80;
	p1 =	sgt.s32 s1, $0xDF  }
0x1b: {  	s11 =	simm.s32 @!p1 $0xDF;
	s30 =	ssub.s32 s30, s31;
	p1 =	sgt.s32 s10, $0x60  }
0x1c: {  	[tilespmem:s25+$0x2040 ss:$0x81] =	vst.msk $0xffff, v4;
	s0 =	ssub.s32 s11, s0;
	s11 =	smov.u32 s10;
	s31 =	sadd.s32 $0xFFFFFF80, s30  }
0x1d: {  	[tilespmem:s25+$0x2850 ss:$0x81] =	vst.msk $0xffff, v3;
	s30 =	ssub.s32 $0x100, s30;
	s11 =	simm.s32 @!p1 $0x60;
	p1 =	sgt.s32 s31, $0x7F  }
0x1e: {  	[tilespmem:s25+$0x3060 ss:$0x81] =	vst.msk $0xffff, v2;
	s31 =	sadd.s32 $0xFFFFFF21, s0;
	s0 =	ssub.s32 $0xE0, s0;
	s30 =	simm.s32 @p1 $0x0  }
0x1f: {  	[tilespmem:s25+$0x0 ss:$0x81] =	vst.msk $0xffff, v1;
	p1 =	sgt.s32 s31, $0x0;
	s31 =	smulhi.u32 $0x124924A, s27;
	s2 =	ssub.s32 s11, s2  }
0x20: {  	[tilespmem:s26+$0x3870 ss:$0x81] =	vst.msk $0xffff, v0;
	s25 =	smul.u32 s30, s28;
	s30 =	sand.u32 $0x78, s13;
	s0 =	simm.s32 @p1 $0x0  }
0x21: {  	[tilespmem:s26+$0x810 ss:$0x81] =	vst.msk $0xffff, v5;
	s28 =	smul.u32 $0xE0, s31;
	s31 =	sadd.s32 $0xFFFFFFA0, s2;
	s2 =	ssub.s32 $0xE0, s2  }
0x22: {  	[tilespmem:s26+$0x1020 ss:$0x81] =	vst.msk $0xffff, v58;
	s29 =	sor.u32 s30, s29;
	s0 =	smul.u32 s0, s25;
	p1 =	sgt.s32 s31, $0x7F  }
0x23: {  	[tilespmem:s26+$0x1830 ss:$0x81] =	vst.msk $0xffff, v59;
	s30 =	smul.u32 $0x1C00, s1;
	s31 =	rddreg [dreg:$0x1];
	s2 =	simm.s32 @p1 $0x0  }
0x24: {  	[tilespmem:s26+$0x2040 ss:$0x81] =	vst.msk $0xffff, v60;
	s27 =	ssub.s32 s27, s28;
	s0 =	smul.u32 s2, s0;
	s2 =	sadd.s32 s31, s24  }
0x25: {  	[tilespmem:s26+$0x2850 ss:$0x81] =	vst.msk $0xffff, v61;
	s28 =	sshrl.u32 s29, $0x3;
	s29 =	sand.u32 $0x7, s13;
	s2 =	sadd.s32 s30, s2  }
0x26: {  	[tilespmem:s26+$0x3060 ss:$0x81] =	vst.msk $0xffff, v62;
	s31 =	sshll.u32 s29, $0x12;
	s30 =	sshll.u32 s27, $0x5;
	s2 =	sadd.s32 s28, s2  }
0x27: {  	[tilespmem:s26+$0x0 ss:$0x81] =	vst.msk $0xffff, v63;
	s11 =	sor.u32 $0x400, s31;
	s0 =	sand.u32 $0x3FFFFFFF, s0;
	s2 =	sadd.s32 s30, s2  }
0x28: {  	[hbm4b:s2+s11] =	stream.strided.scatter [tilespmem:s23], [sflag:$0x2], s0, s9, s11, $0x20;
	[tilespmem:$0x10100] =	vst v63  }
.LBB1_5:
0x29: {  	p1 =	slt.u32 s18, $0x2;
	s0 =	smov.u32 s22  }
0x2a: {  	s11 =	smov.u32 s21;
	s23 =	sadd.s32 $0x80, s14;
	s24 =	smov.u32 s15  }
0x2b: {  	s25 =	smov.u32 s17;
	p0 =	por !p0, !p0;
	p2 =	sgt.s32 @!p1 s22, $0x2  }
0x2c: {  	s2 =	sshra.s32 @!p1 s22, $0x1F;
	p4 =	sgt.s32 @!p1 s19, $0x60;
	p2 =	por !p2, p1  }
0x2d: {  	s2 =	sand.u32 @!p1 s2, s22;
	s0 =	simm.s32 @p2 $0x2;
	p2 =	sgt.s32 @!p1 s21, $0xDF  }
0x2e: {  	s22 =	sshra.s32 @!p1 s21, $0x1F;
	s0 =	ssub.s32 @!p1 s0, s2;
	p2 =	por !p2, p1  }
0x2f: {  	s2 =	sadd.s32 @!p1 $0xFFFFFFFE, s0;
	s11 =	simm.s32 @p2 $0xDF;
	s0 =	ssub.s32 @!p1 $0x3, s0  }
0x30: {  	p3 =	sgt.s32 @!p1 s2, $0x0;
	s2 =	sand.u32 @!p1 s22, s21;
	s21 =	sshra.s32 @!p1 s20, $0x1F  }
0x31: {  	s22 =	smov.u32 s12;
	p2 =	por !p3, p1;
	s2 =	ssub.s32 @!p1 s11, s2  }
0x32: {  	p3 =	sgt.s32 @!p1 s20, $0x80;
	s0 =	simm.s32 @!p2 $0x0;
	s11 =	sadd.s32 @!p1 $0xFFFFFF21, s2  }
0x33: {  	p3 =	por !p3, p1;
	p2 =	sgt.s32 @!p1 s11, $0x0;
	s11 =	smov.u32 s20  }
0x34: {  	s2 =	ssub.s32 @!p1 $0xE0, s2;
	s20 =	sand.u32 @!p1 s21, s20;
	s11 =	simm.s32 @p3 $0x80  }
0x35: {  	s21 =	smov.u32 s19;
	s11 =	ssub.s32 @!p1 s11, s20;
	s20 =	sshra.s32 @!p1 s19, $0x1F  }
0x36: {  	p2 =	por !p2, p1;
	s19 =	sand.u32 @!p1 s20, s19;
	s20 =	sadd.s32 @!p1 $0xFFFFFF80, s11  }
0x37: {  	p3 =	por !p4, p1;
	s2 =	simm.s32 @!p2 $0x0;
	p2 =	sgt.s32 @!p1 s20, $0x7F  }
0x38: {  	s21 =	simm.s32 @p3 $0x60;
	s11 =	ssub.s32 @!p1 $0x100, s11;
	p2 =	por !p2, p1  }
0x39: {  	s12 =	smov.u32 s16;
	s19 =	ssub.s32 @!p1 s21, s19;
	s11 =	simm.s32 @!p2 $0x0  }
0x3a: {  	p2 =	sgt.s32 s23, $0xDF;
	s0 =	smul.u32 @!p1 s11, s0;
	s11 =	sadd.s32 $0x10, s15  }
0x3b: {  	s21 =	smov.u32 s1;
	s1 =	smov.u32 s15;
	s24 =	smov.u32 @p2 s11  }
0x3c: {  	s0 =	smul.u32 @!p1 s2, s0;
	p4 =	sgt.s32 s24, $0xDF;
	s2 =	simm.s32 $0x1  }
0x3d: {  	s20 =	sadd.s32 @!p1 $0xFFFFFFA0, s19;
	s19 =	ssub.s32 @!p1 $0xE0, s19;
	s2 =	simm.s32 @!p4 $0x0  }
0x3e: {  	p3 =	sgt.s32 @!p1 s20, $0x7F;
	s20 =	smov.u32 s13;
	s2 =	sadd.s32 s2, s16  }
0x3f: {  	s23 =	simm.s32 @p2 $0x0;
	s11 =	sadd.s32 $0x100, s17;
	p2 =	sgt.s32 s2, $0x2  }
0x40: {  	s13 =	smov.u32 s17;
	p3 =	por !p3, p1;
	s25 =	smov.u32 @p2 s11  }
0x41: {  	s19 =	simm.s32 @!p3 $0x0;
	s2 =	simm.s32 @p2 $0x0;
	p2 =	sgt.s32 s25, $0xFF  }
0x42: {  	s0 =	smul.u32 @!p1 s19, s0;
	s25 =	smov.u32 @p2 s3;
	p2 =	sne.s32 s18, s8  }
.Ltmp1:
0x43: {  	s24 =	smov.u32 @p4 s7;
	s19 =	smov.u32 s10;
	(pc) =	sbr.rel @!p2 .LBB1_6-.Ltmp1, $4  }
0x44: {  	s10 =	smov.u32 s14;
	s0 =	sand.u32 @!p1 $0x3FFFFFFF, s0;
	s11 =	simm.s32 @!p1 $0x2  }
0x45: {  	s14 =	smov.u32 s23;
	s15 =	smov.u32 s24;
	_ =	swait.ge @!p1 [sflag:s11], s0  }
0x46: {  	s0 =	ssub.s32 @!p1 $0x0, s0;
	s16 =	smov.u32 s2;
	[sflag:s11] =	ssyncset.done @!p1 $0x0  }
0x47: {  	s18 =	sadd.s32 $0x1, s18;
	[sflag:s11] =	ssyncadd.s32 @!p1 s0;
	s17 =	smov.u32 s25  }
.LBB1_1:
0x48: {  	p1 =	sge.u32 s18, s6  }
0x49: {  	s23 =	sshll.u32 @!p1 s15, $0x8;
	s24 =	sshll.u32 @!p1 s14, $0x3  }
0x4a: {  	s25 =	sshll.u32 @!p1 s15, $0x7;
	s23 =	sand.u32 @!p1 $0xFFFFF800, s23;
	s24 =	sand.u32 @!p1 $0xFFFFFC00, s24  }
0x4b: {  	s23 =	sadd.s32 @!p1 s23, s24;
	s24 =	sand.u32 @!p1 $0x300, s25  }
0x4c: {  	s23 =	sor.u32 @!p1 s24, s23  }
0x4d: {  	s23 =	sshrl.u32 @!p1 s23, $0x8  }
0x4e: {  	s24 =	smulhi.u32 @!p1 $0x124924A, s23  }
0x4f: {  	s31 =	sadd.s32 $0xFFFFFFFF, s18;
	s26 =	sxor.u32 @!p1 $0xFFFFFFFF, s18;
	s28 =	smul.u32 @!p1 $0x5400, s17  }
0x50: {  	s27 =	sand.u32 @!p1 $0x78, s14;
	s25 =	sand.u32 @!p1 $0x80, s25;
	s24 =	smul.u32 @!p1 $0xE0, s24  }
0x51: {  	s26 =	sshll.u32 @!p1 s26, $0xE;
	s25 =	sor.u32 @!p1 s27, s25;
	s27 =	smul.u32 @!p1 $0x1C00, s16  }
0x52: {  	s23 =	ssub.s32 @!p1 s23, s24;
	s24 =	sand.u32 @!p1 $0x4000, s26;
	s26 =	sadd.s32 @!p1 s4, s28  }
0x53: {  	s25 =	sshrl.u32 @!p1 s25, $0x3;
	s26 =	sadd.s32 @!p1 s27, s26;
	s27 =	sand.u32 @!p1 $0x7, s14  }
0x54: {  	s23 =	sshll.u32 @!p1 s23, $0x5;
	s25 =	sadd.s32 @!p1 s25, s26;
	s26 =	sshll.u32 @!p1 s27, $0x12  }
0x55: {  	s23 =	sadd.s32 @!p1 s23, s25;
	s25 =	sor.u32 @!p1 $0x80, s26;
	s26 =	simm.s32 @!p1 $0x2A000  }
0x56: {  	[tilespmem:s24], [sflag:$0x1] =	stream.strided.gather @!p1 [hbm4b:s23+s25], $0x4000, s26, s25, $0x38;
	[tilespmem:$0x10100] =	vst v63  }
0x57: {  	p1 =	sge.u32 s31, s6  }
.Ltmp2:
0x58: {  	_ = 	snop;
	(pc) =	sbr.rel @p1 .LBB1_5-.Ltmp2, $1  }
0x59: {  	_ =	sdelay $0x3  }
0x5a: {  	s23 =	simm.s32 $0x1  }
0x5b: {  	_ =	swait.ge [sflag:s5], $0x4000;
	s23 =	simm.s32 @!p0 $0x0  }
0x5c: {  	[sflag:s5] =	ssyncset.done $0x0;
	s24 =	sshll.u32 s23, $0xE  }
0x5d: {  	[sflag:s5] =	ssyncadd.s32 $0xFFFFC000;
	s24 =	sor.u32 $0x40, s24  }
0x5e: {  	s23 =	smul.u32 $0x10200, s23;
	v0 =	vld [tilespmem:s24+$0x30]  }
0x5f: {  	v1 =	vld [tilespmem:s24+$0xFFFFFFD0]  }
0x60: {  	s23 =	sshrl.u32 s23, $0x2;
	v5 =	vld [tilespmem:s24+$0xFFFFFFE0]  }
0x61: {  	v6 =	vld [tilespmem:s24+$0xFFFFFFF0];
	s26 =	sor.u32 $0x8000, s23  }
0x62: {  	s31 =	sand.u32 $0x1, s18;
	v4 =	vld [tilespmem:s24+$0x0];
	s25 =	sadd.s32 $0x0, s26  }
0x63: {  	v3 =	vld [tilespmem:s24+$0x10];
	s23 =	smul.u32 $0x10200, s31;
	[tilespmem:s25+$0x3870 ss:$0x81] =	vst.msk $0xffff, v0  }
0x64: {  	v2 =	vld [tilespmem:s24+$0x20];
	[tilespmem:s25+$0x810 ss:$0x81] =	vst.msk $0xffff, v1  }
0x65: {  	s23 =	sshrl.u32 s23, $0x2;
	v1 =	vld [tilespmem:s24+$0xFFFFFFC0];
	[tilespmem:s25+$0x1020 ss:$0x81] =	vst.msk $0xffff, v5;
	s24 =	sadd.s32 $0x80, s24  }
0x66: {  	s27 =	simm.s32 $0x4;
	s28 =	simm.s32 $0x8;
	s23 =	sor.u32 $0x8000, s23;
	[tilespmem:s25+$0x1830 ss:$0x81] =	vst.msk $0xffff, v6;
	v0 =	vld [tilespmem:s24+$0x30]  }
.LBB1_3:
0x67: {  	p1 =	sne.s32 s28, $0x1FC;
	v5 =	vld [tilespmem:s24+$0xFFFFFFD0];
	[tilespmem:s25+$0x2040 ss:$0x81] =	vst.msk $0xffff, v4  }
0x68: {  	v6 =	vld [tilespmem:s24+$0xFFFFFFE0];
	[tilespmem:s25+$0x2850 ss:$0x81] =	vst.msk $0xffff, v3  }
0x69: {  	s29 =	sshra.s32 s27, $0x2;
	s27 =	smov.u32 s28;
	v7 =	vld [tilespmem:s24+$0xFFFFFFF0];
	[tilespmem:s25+$0x3060 ss:$0x81] =	vst.msk $0xffff, v2  }
.Ltmp3:
0x6a: {  	v4 =	vld [tilespmem:s24+$0x0];
	[tilespmem:s25+$0x0 ss:$0x81] =	vst.msk $0xffff, v1;
	s25 =	sadd.s32 s29, s26;
	(pc) =	sbr.rel @p1 .LBB1_3-.Ltmp3, $4  }
0x6b: {  	v3 =	vld [tilespmem:s24+$0x10];
	[tilespmem:s25+$0x3870 ss:$0x81] =	vst.msk $0xffff, v0  }
0x6c: {  	[tilespmem:s25+$0x810 ss:$0x81] =	vst.msk $0xffff, v5;
	v2 =	vld [tilespmem:s24+$0x20]  }
0x6d: {  	v1 =	vld [tilespmem:s24+$0xFFFFFFC0];
	[tilespmem:s25+$0x1020 ss:$0x81] =	vst.msk $0xffff, v6;
	s24 =	sadd.s32 $0x80, s24  }
0x6e: {  	s28 =	sadd.s32 $0x4, s28;
	v0 =	vld [tilespmem:s24+$0x30];
	[tilespmem:s25+$0x1830 ss:$0x81] =	vst.msk $0xffff, v7  }
.Ltmp4:
0x6f: {  	_ = 	snop;
	(pc) =	sbr.rel .LBB1_4-.Ltmp4, $1  }
0x70: {  	_ =	sdelay $0x3  }
.LBB1_6:
0x71: {  	_ =	sfence.sel $0x180000  }
0x72: {  	s0 =	simm.s32 $0x1;
	[bflag:$0x0] =	sbarrier.arrive $0xFFFF  }
0x73: {  	s30 =	simm.s32 $0x2;
	[sflag:s0] =	ssyncpa.u1 $0x1  }
0x74: {  	[sflag:s30] =	ssyncpa.u1 $0x1  }
0x75: {  	_ =	strace $0x9000004A  }
0x76: {  	s31 =	stileid.u32;
	[bflag:$0x2] =	sbarrier.arrive $0xFFFF  }
0x77: {  	p0 =	sne.s32 s31, $0x0;
	s0 =	rddreg [dreg:$0x2]  }
0x78: {  	s0 =	sadd.s32 @!p0 $0x100000, s0  }
0x79: {  	[sflag:s0] =	ssyncadd.tile.s32 @!p0 $0x1;
	_ =	shalt  }
.Lfunc_end1:
_tile_overlayer_lowered:
.L_overlay_start_2:
0x7a: {  	(tag) =	ssettag $0x2  }
0x7b: {  	s0 =	rddreg [dreg:$0x0];
	s2 =	stileid.u32  }
0x7c: {  	s1 =	rddreg [dreg:$0x1];
	p0 =	sne.s32 s2, $0x0  }
0x7d: {  	s3 =	rddreg [dreg:$0x2];
	[bflag:$0x3] =	sbarrier.arrive $0xFFFF;
	s2 =	simm.s32 @!p0 $0x1C01  }
0x7e: {  	[timem:s3], [sflag:s2] =	dma.local @!p0 [hbm:s0], s1  }
0x7f: {  	s0 =	simm.s32 @!p0 $0x1  }
0x80: {  	_ =	swait.ge @!p0 [sflag:s0], s1  }
0x81: {  	s1 =	ssub.s32 @!p0 $0x0, s1;
	[sflag:s0] =	ssyncset.done @!p0 $0x0  }
0x82: {  	[sflag:s0] =	ssyncadd.s32 @!p0 s1  }
0x83: {  	[bflag:$0x3] =	sbarrier.arrive $0xFFFF  }
0x84: {  	_ =	shalt  }

</sc_bundles>
